<compile_context>
chip_gen: v7x
topology: tpu7x:2x2x1
jax: 0.10.2.dev20260603
libtpu: 0.0.44.dev20260713+nightly
codegen_flags: <defaults>
</compile_context>

<pallas_src>
import functools

import jax
import jax.numpy as jnp
from jax import lax
from jax.experimental import pallas as pl
from jax.experimental.pallas import tpu as pltpu
from jax.experimental.pallas import tpu_sc as plsc

N_NODES = 10000
N_EDGES = 320000
D = 128
LANES = 16

NC = 2
NS = 16
NW = NC * NS
BLK = 80
NBT = N_EDGES // BLK
BPW = NBT // NW
N_PAD = 10240
ROWS_T = N_PAD // NS


def _sc_cfconv(x, Wij, ic_blocks):
    mesh = plsc.VectorSubcoreMesh(core_axis_name="c", subcore_axis_name="s")

    @functools.partial(
        pl.kernel,
        out_type=jax.ShapeDtypeStruct((NC, N_PAD, D), jnp.float32),
        mesh=mesh,
        scratch_types=[
            [pltpu.VMEM((2, BLK), jnp.int32)] * 2,
            [pltpu.VMEM((1, BLK), jnp.int32)] * 2,
            [pltpu.VMEM((BLK, D), jnp.float32)] * 2,
            [pltpu.VMEM((BLK, D), jnp.float32)] * 2,
            pltpu.VMEM_SHARED((N_PAD, D), jnp.float32),
            [pltpu.SemaphoreType.DMA] * 2,
            [pltpu.SemaphoreType.DMA] * 2,
            [pltpu.SemaphoreType.DMA] * 2,
        ],
    )
    def k(x_hbm, w_hbm, ic_hbm, out_hbm, ic_v, iis_v, xr_v,
          w_v, acc_sh, dsem, isem, ssem):
        c = lax.axis_index("c")
        s = lax.axis_index("s")
        w = c * NS + s
        start = w * BPW

        def load_idx_early(t, q):
            pltpu.async_copy(ic_hbm.at[start + t], ic_v[q], isem[q])
        load_idx_early(0, 0)
        load_idx_early(1, 1)

        def zrow(r, carry):
            for p in range(D // LANES):
                xr_v[0][r, pl.ds(p * LANES, LANES)] = jnp.zeros(
                    (LANES,), jnp.float32)
                xr_v[1][r, pl.ds(p * LANES, LANES)] = jnp.zeros(
                    (LANES,), jnp.float32)
            return carry
        lax.fori_loop(0, BLK, zrow, 0)
        for q in range(2):
            for p in range(BLK // LANES):
                iis_v[q][0, pl.ds(p * LANES, LANES)] = jnp.zeros(
                    (LANES,), jnp.int32)

        base_r = s * ROWS_T
        for j in range(ROWS_T // BLK):
            pltpu.async_copy(xr_v[0], acc_sh.at[pl.ds(base_r + j * BLK, BLK)],
                             dsem[0])
        for j in range(ROWS_T // BLK):
            pltpu.make_async_copy(
                xr_v[0], acc_sh.at[pl.ds(base_r + j * BLK, BLK)],
                dsem[0]).wait()
        plsc.subcore_barrier()

        def load_idx(t, q):
            g = start + jnp.minimum(t, BPW - 1)
            pltpu.async_copy(ic_hbm.at[g], ic_v[q], isem[q])

        def wait_idx(q):
            pltpu.make_async_copy(ic_hbm.at[0], ic_v[q], isem[q]).wait()

        def load_data(t, q):
            g = start + t
            pltpu.async_copy(x_hbm.at[ic_v[q].at[1]], xr_v[q], dsem[q])
            pltpu.async_copy(w_hbm.at[g], w_v[q], dsem[q])

        def wait_data(q):
            pltpu.make_async_copy(x_hbm.at[pl.ds(0, BLK)], xr_v[q],
                                  dsem[q]).wait()
            pltpu.make_async_copy(w_hbm.at[0], w_v[q], dsem[q]).wait()

        def copy_sidx(q):
            for p in range(BLK // LANES):
                sl = pl.ds(p * LANES, LANES)
                iis_v[q][0, sl] = ic_v[q][0, sl]

        def scatter(q):
            pltpu.async_copy(xr_v[q], acc_sh.at[iis_v[q].at[0]], ssem[q],
                             add=True)

        def wait_scatter(q):
            pltpu.make_async_copy(xr_v[q], acc_sh.at[iis_v[q].at[0]],
                                  ssem[q]).wait()

        def compute(q):
            xr, wv = xr_v[q], w_v[q]

            def body(h, rc):
                r = pl.multiple_of(2 * h, 2)
                for rr in (r, r + 1):
                    for p in range(D // LANES):
                        sl = pl.ds(p * LANES, LANES)
                        xr[rr, sl] = xr[rr, sl] * wv[rr, sl]
                return rc
            lax.fori_loop(0, BLK // 2, body, 0)

        scatter(0)
        scatter(1)
        wait_idx(0)
        wait_scatter(0)
        load_data(0, 0)

        def pair(kk, carry):
            a = 2 * kk
            b = 2 * kk + 1
            wait_idx(1)
            wait_scatter(1)
            load_data(a + 1, 1)
            wait_data(0)
            copy_sidx(0)
            compute(0)
            scatter(0)
            load_idx(a + 2, 0)
            wait_idx(0)
            wait_scatter(0)
            load_data(b + 1, 0)
            wait_data(1)
            copy_sidx(1)
            compute(1)
            scatter(1)
            load_idx(b + 2, 1)
            return carry
        lax.fori_loop(0, (BPW - 1) // 2, pair, 0)

        wait_idx(1)
        wait_scatter(1)
        wait_data(0)
        copy_sidx(0)
        compute(0)
        scatter(0)
        wait_scatter(0)

        plsc.subcore_barrier()
        pltpu.sync_copy(acc_sh.at[pl.ds(base_r, ROWS_T)],
                        out_hbm.at[c].at[pl.ds(base_r, ROWS_T)])

    return k(x, Wij, ic_blocks)


def _combine(yp):
    def body(a_ref, b_ref, o_ref):
        o_ref[...] = a_ref[...] + b_ref[...]

    blk = N_NODES // 10
    return pl.pallas_call(
        body,
        out_shape=jax.ShapeDtypeStruct((N_NODES, D), jnp.float32),
        grid=(10,),
        in_specs=[
            pl.BlockSpec((blk, D), lambda i: (i, 0)),
            pl.BlockSpec((blk, D), lambda i: (i, 0)),
        ],
        out_specs=pl.BlockSpec((blk, D), lambda i: (i, 0)),
    )(yp[0], yp[1])


def kernel(x, Wij, idx_i, idx_j):
    ic_blocks = jnp.stack(
        [idx_i.reshape(NBT, BLK), idx_j.reshape(NBT, BLK)], axis=1)
    Wij_blocks = Wij.reshape(NBT, BLK, D)
    yp = _sc_cfconv(x, Wij_blocks, ic_blocks)
    return _combine(yp)

# --- scband reference (transcript-rebuilt; emitter-appended) ---
"""Pipeline reference for scband-cfconv-48687749267992 (READ-ONLY COPY).

The authoritative reference and input builder live on the scoring server;
editing this copy changes nothing except your own understanding.
"""

import jax, jax.numpy as jnp
import numpy as np

N_NODES = 10000
N_EDGES = 320000
D_FEAT = 128


def setup_inputs(seed: int = 0) -> dict:
    key = jax.random.key(seed)
    k_x, k_w, k_i, k_j = jax.random.split(key, 4)
    x = jax.random.normal(k_x, (N_NODES, D_FEAT), dtype=jnp.float32)
    Wij = jax.random.normal(k_w, (N_EDGES, D_FEAT), dtype=jnp.float32)
    idx_i = jnp.sort(jax.random.randint(k_i, (N_EDGES,), 0, N_NODES, dtype=jnp.int64 if jax.config.jax_enable_x64 else jnp.int32)).astype(jnp.int32)
    idx_j = jax.random.randint(k_j, (N_EDGES,), 0, N_NODES).astype(jnp.int32)
    return {"x": x, "Wij": Wij, "idx_i": idx_i, "idx_j": idx_j}


def reference(x, Wij, idx_i, idx_j):
    # Continuous-filter convolution: gather neighbor features, modulate by
    # edge filters, scatter-add back to center atoms.
    x_j = jnp.take(x, idx_j, axis=0)          # gather: [E, d]
    x_ij = x_j * Wij                           # elementwise filter
    y = jnp.zeros(x.shape, dtype=x_ij.dtype).at[idx_i].add(x_ij)  # scatter-add
    return y

if __name__ == "__main__":
    import jax
    _d = setup_inputs()
    print(jax.jit(kernel)(*tuple(_d.values())))

</pallas_src>

<mosaic_0001>
#map = affine_map<(d0, d1) -> (0, 0)>
#map1 = affine_map<(d0, d1) -> (0, 0, 0)>
module attributes {stable_mosaic.version = 14 : i64} {
  func.func @k(%arg0: i32, %arg1: i32, %arg2: memref<10000x128xf32, #tpu.memory_space<hbm>>, %arg3: memref<4000x80x128xf32, #tpu.memory_space<hbm>>, %arg4: memref<4000x2x80xi32, #tpu.memory_space<hbm>>, %arg5: memref<2x10240x128xf32, #tpu.memory_space<hbm>>, %arg6: memref<2x80xi32, #tpu.memory_space<vmem>>, %arg7: memref<2x80xi32, #tpu.memory_space<vmem>>, %arg8: memref<1x80xi32, #tpu.memory_space<vmem>>, %arg9: memref<1x80xi32, #tpu.memory_space<vmem>>, %arg10: memref<80x128xf32, #tpu.memory_space<vmem>>, %arg11: memref<80x128xf32, #tpu.memory_space<vmem>>, %arg12: memref<80x128xf32, #tpu.memory_space<vmem>>, %arg13: memref<80x128xf32, #tpu.memory_space<vmem>>, %arg14: memref<10240x128xf32, #tpu.memory_space<vmem_shared>>, %arg15: memref<!tpu.dma_semaphore, #tpu.memory_space<semaphore_mem>>, %arg16: memref<!tpu.dma_semaphore, #tpu.memory_space<semaphore_mem>>, %arg17: memref<!tpu.dma_semaphore, #tpu.memory_space<semaphore_mem>>, %arg18: memref<!tpu.dma_semaphore, #tpu.memory_space<semaphore_mem>>, %arg19: memref<!tpu.dma_semaphore, #tpu.memory_space<semaphore_mem>>, %arg20: memref<!tpu.dma_semaphore, #tpu.memory_space<semaphore_mem>>) attributes {dimension_semantics = [#tpu.dimension_semantics<core_parallel>, #tpu.dimension_semantics<subcore_parallel>], iteration_bounds = array<i64: 2, 16>, scalar_prefetch = 0 : i64, scratch_operands = 15 : i64, tpu.core_type = #tpu.core_type<sc_vector_subcore>, window_params = [{transform_indices = #map}, {transform_indices = #map1}, {transform_indices = #map1}, {transform_indices = #map1}]} {
    %mul3A = arith.constant 16 : i32
    %mul3A_0 = arith.muli %arg0, %mul3A : i32
    %add3A = arith.addi %mul3A_0, %arg1 : i32
    %mul3A_1 = arith.constant 125 : i32
    %mul3A_2 = arith.muli %add3A, %mul3A_1 : i32
    %add3A_3 = arith.constant 0 : i32
    %add3A_4 = arith.addi %mul3A_2, %add3A_3 : i32
    %dma_start3A = arith.constant 0 : i32
    %dma_start3A_5 = arith.constant 0 : i32
    %dma_start3A_6 = tpu.memref_slice %arg4[%add3A_4, %dma_start3A, %dma_start3A_5] : memref<4000x2x80xi32, #tpu.memory_space<hbm>> -> memref<1x2x80xi32, #tpu.memory_space<hbm>>
    %dma_start3A_7 = tpu.memref_squeeze %dma_start3A_6 : memref<1x2x80xi32, #tpu.memory_space<hbm>> -> memref<2x80xi32, #tpu.memory_space<hbm>>
    %dma_start3A_8 = arith.constant 0 : i32
    %dma_start3A_9 = arith.constant 0 : i32
    %dma_start3A_10 = tpu.memref_slice %arg4[%add3A_4, %dma_start3A_8, %dma_start3A_9] : memref<4000x2x80xi32, #tpu.memory_space<hbm>> -> memref<1x2x80xi32, #tpu.memory_space<hbm>>
    %dma_start3A_11 = tpu.memref_squeeze %dma_start3A_10 : memref<1x2x80xi32, #tpu.memory_space<hbm>> -> memref<2x80xi32, #tpu.memory_space<hbm>>
    tpu.enqueue_dma source(%dma_start3A_11 : memref<2x80xi32, #tpu.memory_space<hbm>>) target(%arg6 : memref<2x80xi32, #tpu.memory_space<vmem>>) target_semaphore(%arg17 : memref<!tpu.dma_semaphore, #tpu.memory_space<semaphore_mem>>)
    %add3A_12 = arith.constant 1 : i32
    %add3A_13 = arith.addi %mul3A_2, %add3A_12 : i32
    %dma_start3A_14 = arith.constant 0 : i32
    %dma_start3A_15 = arith.constant 0 : i32
    %dma_start3A_16 = tpu.memref_slice %arg4[%add3A_13, %dma_start3A_14, %dma_start3A_15] : memref<4000x2x80xi32, #tpu.memory_space<hbm>> -> memref<1x2x80xi32, #tpu.memory_space<hbm>>
    %dma_start3A_17 = tpu.memref_squeeze %dma_start3A_16 : memref<1x2x80xi32, #tpu.memory_space<hbm>> -> memref<2x80xi32, #tpu.memory_space<hbm>>
    %dma_start3A_18 = arith.constant 0 : i32
    %dma_start3A_19 = arith.constant 0 : i32
    %dma_start3A_20 = tpu.memref_slice %arg4[%add3A_13, %dma_start3A_18, %dma_start3A_19] : memref<4000x2x80xi32, #tpu.memory_space<hbm>> -> memref<1x2x80xi32, #tpu.memory_space<hbm>>
    %dma_start3A_21 = tpu.memref_squeeze %dma_start3A_20 : memref<1x2x80xi32, #tpu.memory_space<hbm>> -> memref<2x80xi32, #tpu.memory_space<hbm>>
    tpu.enqueue_dma source(%dma_start3A_21 : memref<2x80xi32, #tpu.memory_space<hbm>>) target(%arg7 : memref<2x80xi32, #tpu.memory_space<vmem>>) target_semaphore(%arg18 : memref<!tpu.dma_semaphore, #tpu.memory_space<semaphore_mem>>)
    %scan3A = arith.constant 0 : i32
    %scan3A_22 = arith.constant 0 : i32
    %scan3A_23 = arith.constant 80 : i32
    %scan3A_24 = arith.addi %scan3A_22, %scan3A_23 : i32
    %scan3A_25 = arith.constant 1 : i32
    scf.for %scan3A_361 = %scan3A_22 to %scan3A_24 step %scan3A_25  : i32 {
      %broadcast_in_dim3A_362 = arith.constant 0.000000e+00 : f32
      %broadcast_in_dim3A_363 = vector.broadcast %broadcast_in_dim3A_362 : f32 to vector<16xf32>
      %swap3A_364 = arith.index_cast %scan3A_361 : i32 to index
      %swap3A_365 = arith.constant 0 : index
      %swap3A_366 = tpu.vector_load %arg10[%swap3A_364, %swap3A_365] {strides = array<i32>} : memref<80x128xf32, #tpu.memory_space<vmem>>, vector<1x16xf32>,
      %swap3A_367 = vector.shape_cast %swap3A_366 : vector<1x16xf32> to vector<16xf32>
      %swap3A_368 = vector.shape_cast %broadcast_in_dim3A_363 : vector<16xf32> to vector<1x16xf32>
      tpu.vector_store %arg10[%swap3A_364, %swap3A_365], %swap3A_368 {strides = array<i32>} : memref<80x128xf32, #tpu.memory_space<vmem>>, vector<1x16xf32>,
      %broadcast_in_dim3A_369 = arith.constant 0.000000e+00 : f32
      %broadcast_in_dim3A_370 = vector.broadcast %broadcast_in_dim3A_369 : f32 to vector<16xf32>
      %swap3A_371 = arith.index_cast %scan3A_361 : i32 to index
      %swap3A_372 = arith.constant 0 : index
      %swap3A_373 = tpu.vector_load %arg11[%swap3A_371, %swap3A_372] {strides = array<i32>} : memref<80x128xf32, #tpu.memory_space<vmem>>, vector<1x16xf32>,
      %swap3A_374 = vector.shape_cast %swap3A_373 : vector<1x16xf32> to vector<16xf32>
      %swap3A_375 = vector.shape_cast %broadcast_in_dim3A_370 : vector<16xf32> to vector<1x16xf32>
      tpu.vector_store %arg11[%swap3A_371, %swap3A_372], %swap3A_375 {strides = array<i32>} : memref<80x128xf32, #tpu.memory_space<vmem>>, vector<1x16xf32>,
      %broadcast_in_dim3A_376 = arith.constant 0.000000e+00 : f32
      %broadcast_in_dim3A_377 = vector.broadcast %broadcast_in_dim3A_376 : f32 to vector<16xf32>
      %swap3A_378 = arith.index_cast %scan3A_361 : i32 to index
      %swap3A_379 = arith.constant 16 : index
      %swap3A_380 = tpu.vector_load %arg10[%swap3A_378, %swap3A_379] {strides = array<i32>} : memref<80x128xf32, #tpu.memory_space<vmem>>, vector<1x16xf32>,
      %swap3A_381 = vector.shape_cast %swap3A_380 : vector<1x16xf32> to vector<16xf32>
      %swap3A_382 = vector.shape_cast %broadcast_in_dim3A_377 : vector<16xf32> to vector<1x16xf32>
      tpu.vector_store %arg10[%swap3A_378, %swap3A_379], %swap3A_382 {strides = array<i32>} : memref<80x128xf32, #tpu.memory_space<vmem>>, vector<1x16xf32>,
      %broadcast_in_dim3A_383 = arith.constant 0.000000e+00 : f32
      %broadcast_in_dim3A_384 = vector.broadcast %broadcast_in_dim3A_383 : f32 to vector<16xf32>
      %swap3A_385 = arith.index_cast %scan3A_361 : i32 to index
      %swap3A_386 = arith.constant 16 : index
      %swap3A_387 = tpu.vector_load %arg11[%swap3A_385, %swap3A_386] {strides = array<i32>} : memref<80x128xf32, #tpu.memory_space<vmem>>, vector<1x16xf32>,
      %swap3A_388 = vector.shape_cast %swap3A_387 : vector<1x16xf32> to vector<16xf32>
      %swap3A_389 = vector.shape_cast %broadcast_in_dim3A_384 : vector<16xf32> to vector<1x16xf32>
      tpu.vector_store %arg11[%swap3A_385, %swap3A_386], %swap3A_389 {strides = array<i32>} : memref<80x128xf32, #tpu.memory_space<vmem>>, vector<1x16xf32>,
      %broadcast_in_dim3A_390 = arith.constant 0.000000e+00 : f32
      %broadcast_in_dim3A_391 = vector.broadcast %broadcast_in_dim3A_390 : f32 to vector<16xf32>
      %swap3A_392 = arith.index_cast %scan3A_361 : i32 to index
      %swap3A_393 = arith.constant 32 : index
      %swap3A_394 = tpu.vector_load %arg10[%swap3A_392, %swap3A_393] {strides = array<i32>} : memref<80x128xf32, #tpu.memory_space<vmem>>, vector<1x16xf32>,
      %swap3A_395 = vector.shape_cast %swap3A_394 : vector<1x16xf32> to vector<16xf32>
      %swap3A_396 = vector.shape_cast %broadcast_in_dim3A_391 : vector<16xf32> to vector<1x16xf32>
      tpu.vector_store %arg10[%swap3A_392, %swap3A_393], %swap3A_396 {strides = array<i32>} : memref<80x128xf32, #tpu.memory_space<vmem>>, vector<1x16xf32>,
      %broadcast_in_dim3A_397 = arith.constant 0.000000e+00 : f32
      %broadcast_in_dim3A_398 = vector.broadcast %broadcast_in_dim3A_397 : f32 to vector<16xf32>
      %swap3A_399 = arith.index_cast %scan3A_361 : i32 to index
      %swap3A_400 = arith.constant 32 : index
      %swap3A_401 = tpu.vector_load %arg11[%swap3A_399, %swap3A_400] {strides = array<i32>} : memref<80x128xf32, #tpu.memory_space<vmem>>, vector<1x16xf32>,
      %swap3A_402 = vector.shape_cast %swap3A_401 : vector<1x16xf32> to vector<16xf32>
      %swap3A_403 = vector.shape_cast %broadcast_in_dim3A_398 : vector<16xf32> to vector<1x16xf32>
      tpu.vector_store %arg11[%swap3A_399, %swap3A_400], %swap3A_403 {strides = array<i32>} : memref<80x128xf32, #tpu.memory_space<vmem>>, vector<1x16xf32>,
      %broadcast_in_dim3A_404 = arith.constant 0.000000e+00 : f32
      %broadcast_in_dim3A_405 = vector.broadcast %broadcast_in_dim3A_404 : f32 to vector<16xf32>
      %swap3A_406 = arith.index_cast %scan3A_361 : i32 to index
      %swap3A_407 = arith.constant 48 : index
      %swap3A_408 = tpu.vector_load %arg10[%swap3A_406, %swap3A_407] {strides = array<i32>} : memref<80x128xf32, #tpu.memory_space<vmem>>, vector<1x16xf32>,
      %swap3A_409 = vector.shape_cast %swap3A_408 : vector<1x16xf32> to vector<16xf32>
      %swap3A_410 = vector.shape_cast %broadcast_in_dim3A_405 : vector<16xf32> to vector<1x16xf32>
      tpu.vector_store %arg10[%swap3A_406, %swap3A_407], %swap3A_410 {strides = array<i32>} : memref<80x128xf32, #tpu.memory_space<vmem>>, vector<1x16xf32>,
      %broadcast_in_dim3A_411 = arith.constant 0.000000e+00 : f32
      %broadcast_in_dim3A_412 = vector.broadcast %broadcast_in_dim3A_411 : f32 to vector<16xf32>
      %swap3A_413 = arith.index_cast %scan3A_361 : i32 to index
      %swap3A_414 = arith.constant 48 : index
      %swap3A_415 = tpu.vector_load %arg11[%swap3A_413, %swap3A_414] {strides = array<i32>} : memref<80x128xf32, #tpu.memory_space<vmem>>, vector<1x16xf32>,
      %swap3A_416 = vector.shape_cast %swap3A_415 : vector<1x16xf32> to vector<16xf32>
      %swap3A_417 = vector.shape_cast %broadcast_in_dim3A_412 : vector<16xf32> to vector<1x16xf32>
      tpu.vector_store %arg11[%swap3A_413, %swap3A_414], %swap3A_417 {strides = array<i32>} : memref<80x128xf32, #tpu.memory_space<vmem>>, vector<1x16xf32>,
      %broadcast_in_dim3A_418 = arith.constant 0.000000e+00 : f32
      %broadcast_in_dim3A_419 = vector.broadcast %broadcast_in_dim3A_418 : f32 to vector<16xf32>
      %swap3A_420 = arith.index_cast %scan3A_361 : i32 to index
      %swap3A_421 = arith.constant 64 : index
      %swap3A_422 = tpu.vector_load %arg10[%swap3A_420, %swap3A_421] {strides = array<i32>} : memref<80x128xf32, #tpu.memory_space<vmem>>, vector<1x16xf32>,
      %swap3A_423 = vector.shape_cast %swap3A_422 : vector<1x16xf32> to vector<16xf32>
      %swap3A_424 = vector.shape_cast %broadcast_in_dim3A_419 : vector<16xf32> to vector<1x16xf32>
      tpu.vector_store %arg10[%swap3A_420, %swap3A_421], %swap3A_424 {strides = array<i32>} : memref<80x128xf32, #tpu.memory_space<vmem>>, vector<1x16xf32>,
      %broadcast_in_dim3A_425 = arith.constant 0.000000e+00 : f32
      %broadcast_in_dim3A_426 = vector.broadcast %broadcast_in_dim3A_425 : f32 to vector<16xf32>
      %swap3A_427 = arith.index_cast %scan3A_361 : i32 to index
      %swap3A_428 = arith.constant 64 : index
      %swap3A_429 = tpu.vector_load %arg11[%swap3A_427, %swap3A_428] {strides = array<i32>} : memref<80x128xf32, #tpu.memory_space<vmem>>, vector<1x16xf32>,
      %swap3A_430 = vector.shape_cast %swap3A_429 : vector<1x16xf32> to vector<16xf32>
      %swap3A_431 = vector.shape_cast %broadcast_in_dim3A_426 : vector<16xf32> to vector<1x16xf32>
      tpu.vector_store %arg11[%swap3A_427, %swap3A_428], %swap3A_431 {strides = array<i32>} : memref<80x128xf32, #tpu.memory_space<vmem>>, vector<1x16xf32>,
      %broadcast_in_dim3A_432 = arith.constant 0.000000e+00 : f32
      %broadcast_in_dim3A_433 = vector.broadcast %broadcast_in_dim3A_432 : f32 to vector<16xf32>
      %swap3A_434 = arith.index_cast %scan3A_361 : i32 to index
      %swap3A_435 = arith.constant 80 : index
      %swap3A_436 = tpu.vector_load %arg10[%swap3A_434, %swap3A_435] {strides = array<i32>} : memref<80x128xf32, #tpu.memory_space<vmem>>, vector<1x16xf32>,
      %swap3A_437 = vector.shape_cast %swap3A_436 : vector<1x16xf32> to vector<16xf32>
      %swap3A_438 = vector.shape_cast %broadcast_in_dim3A_433 : vector<16xf32> to vector<1x16xf32>
      tpu.vector_store %arg10[%swap3A_434, %swap3A_435], %swap3A_438 {strides = array<i32>} : memref<80x128xf32, #tpu.memory_space<vmem>>, vector<1x16xf32>,
      %broadcast_in_dim3A_439 = arith.constant 0.000000e+00 : f32
      %broadcast_in_dim3A_440 = vector.broadcast %broadcast_in_dim3A_439 : f32 to vector<16xf32>
      %swap3A_441 = arith.index_cast %scan3A_361 : i32 to index
      %swap3A_442 = arith.constant 80 : index
      %swap3A_443 = tpu.vector_load %arg11[%swap3A_441, %swap3A_442] {strides = array<i32>} : memref<80x128xf32, #tpu.memory_space<vmem>>, vector<1x16xf32>,
      %swap3A_444 = vector.shape_cast %swap3A_443 : vector<1x16xf32> to vector<16xf32>
      %swap3A_445 = vector.shape_cast %broadcast_in_dim3A_440 : vector<16xf32> to vector<1x16xf32>
      tpu.vector_store %arg11[%swap3A_441, %swap3A_442], %swap3A_445 {strides = array<i32>} : memref<80x128xf32, #tpu.memory_space<vmem>>, vector<1x16xf32>,
      %broadcast_in_dim3A_446 = arith.constant 0.000000e+00 : f32
      %broadcast_in_dim3A_447 = vector.broadcast %broadcast_in_dim3A_446 : f32 to vector<16xf32>
      %swap3A_448 = arith.index_cast %scan3A_361 : i32 to index
      %swap3A_449 = arith.constant 96 : index
      %swap3A_450 = tpu.vector_load %arg10[%swap3A_448, %swap3A_449] {strides = array<i32>} : memref<80x128xf32, #tpu.memory_space<vmem>>, vector<1x16xf32>,
      %swap3A_451 = vector.shape_cast %swap3A_450 : vector<1x16xf32> to vector<16xf32>
      %swap3A_452 = vector.shape_cast %broadcast_in_dim3A_447 : vector<16xf32> to vector<1x16xf32>
      tpu.vector_store %arg10[%swap3A_448, %swap3A_449], %swap3A_452 {strides = array<i32>} : memref<80x128xf32, #tpu.memory_space<vmem>>, vector<1x16xf32>,
      %broadcast_in_dim3A_453 = arith.constant 0.000000e+00 : f32
      %broadcast_in_dim3A_454 = vector.broadcast %broadcast_in_dim3A_453 : f32 to vector<16xf32>
      %swap3A_455 = arith.index_cast %scan3A_361 : i32 to index
      %swap3A_456 = arith.constant 96 : index
      %swap3A_457 = tpu.vector_load %arg11[%swap3A_455, %swap3A_456] {strides = array<i32>} : memref<80x128xf32, #tpu.memory_space<vmem>>, vector<1x16xf32>,
      %swap3A_458 = vector.shape_cast %swap3A_457 : vector<1x16xf32> to vector<16xf32>
      %swap3A_459 = vector.shape_cast %broadcast_in_dim3A_454 : vector<16xf32> to vector<1x16xf32>
      tpu.vector_store %arg11[%swap3A_455, %swap3A_456], %swap3A_459 {strides = array<i32>} : memref<80x128xf32, #tpu.memory_space<vmem>>, vector<1x16xf32>,
      %broadcast_in_dim3A_460 = arith.constant 0.000000e+00 : f32
      %broadcast_in_dim3A_461 = vector.broadcast %broadcast_in_dim3A_460 : f32 to vector<16xf32>
      %swap3A_462 = arith.index_cast %scan3A_361 : i32 to index
      %swap3A_463 = arith.constant 112 : index
      %swap3A_464 = tpu.vector_load %arg10[%swap3A_462, %swap3A_463] {strides = array<i32>} : memref<80x128xf32, #tpu.memory_space<vmem>>, vector<1x16xf32>,
      %swap3A_465 = vector.shape_cast %swap3A_464 : vector<1x16xf32> to vector<16xf32>
      %swap3A_466 = vector.shape_cast %broadcast_in_dim3A_461 : vector<16xf32> to vector<1x16xf32>
      tpu.vector_store %arg10[%swap3A_462, %swap3A_463], %swap3A_466 {strides = array<i32>} : memref<80x128xf32, #tpu.memory_space<vmem>>, vector<1x16xf32>,
      %broadcast_in_dim3A_467 = arith.constant 0.000000e+00 : f32
      %broadcast_in_dim3A_468 = vector.broadcast %broadcast_in_dim3A_467 : f32 to vector<16xf32>
      %swap3A_469 = arith.index_cast %scan3A_361 : i32 to index
      %swap3A_470 = arith.constant 112 : index
      %swap3A_471 = tpu.vector_load %arg11[%swap3A_469, %swap3A_470] {strides = array<i32>} : memref<80x128xf32, #tpu.memory_space<vmem>>, vector<1x16xf32>,
      %swap3A_472 = vector.shape_cast %swap3A_471 : vector<1x16xf32> to vector<16xf32>
      %swap3A_473 = vector.shape_cast %broadcast_in_dim3A_468 : vector<16xf32> to vector<1x16xf32>
      tpu.vector_store %arg11[%swap3A_469, %swap3A_470], %swap3A_473 {strides = array<i32>} : memref<80x128xf32, #tpu.memory_space<vmem>>, vector<1x16xf32>,
    }
    %scan3A_26 = arith.constant 80 : i32
    %broadcast_in_dim3A = arith.constant 0 : i32
    %broadcast_in_dim3A_27 = vector.broadcast %broadcast_in_dim3A : i32 to vector<16xi32>
    %swap3A = arith.constant 0 : i32
    %swap3A_28 = arith.index_cast %swap3A : i32 to index
    %swap3A_29 = arith.constant 0 : index
    %swap3A_30 = tpu.vector_load %arg8[%swap3A_28, %swap3A_29] {strides = array<i32>} : memref<1x80xi32, #tpu.memory_space<vmem>>, vector<1x16xi32>,
    %swap3A_31 = vector.shape_cast %swap3A_30 : vector<1x16xi32> to vector<16xi32>
    %swap3A_32 = vector.shape_cast %broadcast_in_dim3A_27 : vector<16xi32> to vector<1x16xi32>
    tpu.vector_store %arg8[%swap3A_28, %swap3A_29], %swap3A_32 {strides = array<i32>} : memref<1x80xi32, #tpu.memory_space<vmem>>, vector<1x16xi32>,
    %broadcast_in_dim3A_33 = arith.constant 0 : i32
    %broadcast_in_dim3A_34 = vector.broadcast %broadcast_in_dim3A_33 : i32 to vector<16xi32>
    %swap3A_35 = arith.constant 0 : i32
    %swap3A_36 = arith.index_cast %swap3A_35 : i32 to index
    %swap3A_37 = arith.constant 16 : index
    %swap3A_38 = tpu.vector_load %arg8[%swap3A_36, %swap3A_37] {strides = array<i32>} : memref<1x80xi32, #tpu.memory_space<vmem>>, vector<1x16xi32>,
    %swap3A_39 = vector.shape_cast %swap3A_38 : vector<1x16xi32> to vector<16xi32>
    %swap3A_40 = vector.shape_cast %broadcast_in_dim3A_34 : vector<16xi32> to vector<1x16xi32>
    tpu.vector_store %arg8[%swap3A_36, %swap3A_37], %swap3A_40 {strides = array<i32>} : memref<1x80xi32, #tpu.memory_space<vmem>>, vector<1x16xi32>,
    %broadcast_in_dim3A_41 = arith.constant 0 : i32
    %broadcast_in_dim3A_42 = vector.broadcast %broadcast_in_dim3A_41 : i32 to vector<16xi32>
    %swap3A_43 = arith.constant 0 : i32
    %swap3A_44 = arith.index_cast %swap3A_43 : i32 to index
    %swap3A_45 = arith.constant 32 : index
    %swap3A_46 = tpu.vector_load %arg8[%swap3A_44, %swap3A_45] {strides = array<i32>} : memref<1x80xi32, #tpu.memory_space<vmem>>, vector<1x16xi32>,
    %swap3A_47 = vector.shape_cast %swap3A_46 : vector<1x16xi32> to vector<16xi32>
    %swap3A_48 = vector.shape_cast %broadcast_in_dim3A_42 : vector<16xi32> to vector<1x16xi32>
    tpu.vector_store %arg8[%swap3A_44, %swap3A_45], %swap3A_48 {strides = array<i32>} : memref<1x80xi32, #tpu.memory_space<vmem>>, vector<1x16xi32>,
    %broadcast_in_dim3A_49 = arith.constant 0 : i32
    %broadcast_in_dim3A_50 = vector.broadcast %broadcast_in_dim3A_49 : i32 to vector<16xi32>
    %swap3A_51 = arith.constant 0 : i32
    %swap3A_52 = arith.index_cast %swap3A_51 : i32 to index
    %swap3A_53 = arith.constant 48 : index
    %swap3A_54 = tpu.vector_load %arg8[%swap3A_52, %swap3A_53] {strides = array<i32>} : memref<1x80xi32, #tpu.memory_space<vmem>>, vector<1x16xi32>,
    %swap3A_55 = vector.shape_cast %swap3A_54 : vector<1x16xi32> to vector<16xi32>
    %swap3A_56 = vector.shape_cast %broadcast_in_dim3A_50 : vector<16xi32> to vector<1x16xi32>
    tpu.vector_store %arg8[%swap3A_52, %swap3A_53], %swap3A_56 {strides = array<i32>} : memref<1x80xi32, #tpu.memory_space<vmem>>, vector<1x16xi32>,
    %broadcast_in_dim3A_57 = arith.constant 0 : i32
    %broadcast_in_dim3A_58 = vector.broadcast %broadcast_in_dim3A_57 : i32 to vector<16xi32>
    %swap3A_59 = arith.constant 0 : i32
    %swap3A_60 = arith.index_cast %swap3A_59 : i32 to index
    %swap3A_61 = arith.constant 64 : index
    %swap3A_62 = tpu.vector_load %arg8[%swap3A_60, %swap3A_61] {strides = array<i32>} : memref<1x80xi32, #tpu.memory_space<vmem>>, vector<1x16xi32>,
    %swap3A_63 = vector.shape_cast %swap3A_62 : vector<1x16xi32> to vector<16xi32>
    %swap3A_64 = vector.shape_cast %broadcast_in_dim3A_58 : vector<16xi32> to vector<1x16xi32>
    tpu.vector_store %arg8[%swap3A_60, %swap3A_61], %swap3A_64 {strides = array<i32>} : memref<1x80xi32, #tpu.memory_space<vmem>>, vector<1x16xi32>,
    %broadcast_in_dim3A_65 = arith.constant 0 : i32
    %broadcast_in_dim3A_66 = vector.broadcast %broadcast_in_dim3A_65 : i32 to vector<16xi32>
    %swap3A_67 = arith.constant 0 : i32
    %swap3A_68 = arith.index_cast %swap3A_67 : i32 to index
    %swap3A_69 = arith.constant 0 : index
    %swap3A_70 = tpu.vector_load %arg9[%swap3A_68, %swap3A_69] {strides = array<i32>} : memref<1x80xi32, #tpu.memory_space<vmem>>, vector<1x16xi32>,
    %swap3A_71 = vector.shape_cast %swap3A_70 : vector<1x16xi32> to vector<16xi32>
    %swap3A_72 = vector.shape_cast %broadcast_in_dim3A_66 : vector<16xi32> to vector<1x16xi32>
    tpu.vector_store %arg9[%swap3A_68, %swap3A_69], %swap3A_72 {strides = array<i32>} : memref<1x80xi32, #tpu.memory_space<vmem>>, vector<1x16xi32>,
    %broadcast_in_dim3A_73 = arith.constant 0 : i32
    %broadcast_in_dim3A_74 = vector.broadcast %broadcast_in_dim3A_73 : i32 to vector<16xi32>
    %swap3A_75 = arith.constant 0 : i32
    %swap3A_76 = arith.index_cast %swap3A_75 : i32 to index
    %swap3A_77 = arith.constant 16 : index
    %swap3A_78 = tpu.vector_load %arg9[%swap3A_76, %swap3A_77] {strides = array<i32>} : memref<1x80xi32, #tpu.memory_space<vmem>>, vector<1x16xi32>,
    %swap3A_79 = vector.shape_cast %swap3A_78 : vector<1x16xi32> to vector<16xi32>
    %swap3A_80 = vector.shape_cast %broadcast_in_dim3A_74 : vector<16xi32> to vector<1x16xi32>
    tpu.vector_store %arg9[%swap3A_76, %swap3A_77], %swap3A_80 {strides = array<i32>} : memref<1x80xi32, #tpu.memory_space<vmem>>, vector<1x16xi32>,
    %broadcast_in_dim3A_81 = arith.constant 0 : i32
    %broadcast_in_dim3A_82 = vector.broadcast %broadcast_in_dim3A_81 : i32 to vector<16xi32>
    %swap3A_83 = arith.constant 0 : i32
    %swap3A_84 = arith.index_cast %swap3A_83 : i32 to index
    %swap3A_85 = arith.constant 32 : index
    %swap3A_86 = tpu.vector_load %arg9[%swap3A_84, %swap3A_85] {strides = array<i32>} : memref<1x80xi32, #tpu.memory_space<vmem>>, vector<1x16xi32>,
    %swap3A_87 = vector.shape_cast %swap3A_86 : vector<1x16xi32> to vector<16xi32>
    %swap3A_88 = vector.shape_cast %broadcast_in_dim3A_82 : vector<16xi32> to vector<1x16xi32>
    tpu.vector_store %arg9[%swap3A_84, %swap3A_85], %swap3A_88 {strides = array<i32>} : memref<1x80xi32, #tpu.memory_space<vmem>>, vector<1x16xi32>,
    %broadcast_in_dim3A_89 = arith.constant 0 : i32
    %broadcast_in_dim3A_90 = vector.broadcast %broadcast_in_dim3A_89 : i32 to vector<16xi32>
    %swap3A_91 = arith.constant 0 : i32
    %swap3A_92 = arith.index_cast %swap3A_91 : i32 to index
    %swap3A_93 = arith.constant 48 : index
    %swap3A_94 = tpu.vector_load %arg9[%swap3A_92, %swap3A_93] {strides = array<i32>} : memref<1x80xi32, #tpu.memory_space<vmem>>, vector<1x16xi32>,
    %swap3A_95 = vector.shape_cast %swap3A_94 : vector<1x16xi32> to vector<16xi32>
    %swap3A_96 = vector.shape_cast %broadcast_in_dim3A_90 : vector<16xi32> to vector<1x16xi32>
    tpu.vector_store %arg9[%swap3A_92, %swap3A_93], %swap3A_96 {strides = array<i32>} : memref<1x80xi32, #tpu.memory_space<vmem>>, vector<1x16xi32>,
    %broadcast_in_dim3A_97 = arith.constant 0 : i32
    %broadcast_in_dim3A_98 = vector.broadcast %broadcast_in_dim3A_97 : i32 to vector<16xi32>
    %swap3A_99 = arith.constant 0 : i32
    %swap3A_100 = arith.index_cast %swap3A_99 : i32 to index
    %swap3A_101 = arith.constant 64 : index
    %swap3A_102 = tpu.vector_load %arg9[%swap3A_100, %swap3A_101] {strides = array<i32>} : memref<1x80xi32, #tpu.memory_space<vmem>>, vector<1x16xi32>,
    %swap3A_103 = vector.shape_cast %swap3A_102 : vector<1x16xi32> to vector<16xi32>
    %swap3A_104 = vector.shape_cast %broadcast_in_dim3A_98 : vector<16xi32> to vector<1x16xi32>
    tpu.vector_store %arg9[%swap3A_100, %swap3A_101], %swap3A_104 {strides = array<i32>} : memref<1x80xi32, #tpu.memory_space<vmem>>, vector<1x16xi32>,
    %mul3A_105 = arith.constant 640 : i32
    %mul3A_106 = arith.muli %arg1, %mul3A_105 : i32
    %add3A_107 = arith.constant 0 : i32
    %add3A_108 = arith.addi %mul3A_106, %add3A_107 : i32
    %dma_start3A_109 = arith.constant 0 : i32
    %dma_start3A_110 = tpu.memref_slice %arg14[%add3A_108, %dma_start3A_109] : memref<10240x128xf32, #tpu.memory_space<vmem_shared>> -> memref<80x128xf32, #tpu.memory_space<vmem_shared>>
    %dma_start3A_111 = arith.constant 0 : i32
    %dma_start3A_112 = tpu.memref_slice %arg14[%add3A_108, %dma_start3A_111] : memref<10240x128xf32, #tpu.memory_space<vmem_shared>> -> memref<80x128xf32, #tpu.memory_space<vmem_shared>>
    tpu.enqueue_dma source(%arg10 : memref<80x128xf32, #tpu.memory_space<vmem>>) target(%dma_start3A_112 : memref<80x128xf32, #tpu.memory_space<vmem_shared>>) target_semaphore(%arg15 : memref<!tpu.dma_semaphore, #tpu.memory_space<semaphore_mem>>)
    %add3A_113 = arith.constant 80 : i32
    %add3A_114 = arith.addi %mul3A_106, %add3A_113 : i32
    %dma_start3A_115 = arith.constant 0 : i32
    %dma_start3A_116 = tpu.memref_slice %arg14[%add3A_114, %dma_start3A_115] : memref<10240x128xf32, #tpu.memory_space<vmem_shared>> -> memref<80x128xf32, #tpu.memory_space<vmem_shared>>
    %dma_start3A_117 = arith.constant 0 : i32
    %dma_start3A_118 = tpu.memref_slice %arg14[%add3A_114, %dma_start3A_117] : memref<10240x128xf32, #tpu.memory_space<vmem_shared>> -> memref<80x128xf32, #tpu.memory_space<vmem_shared>>
    tpu.enqueue_dma source(%arg10 : memref<80x128xf32, #tpu.memory_space<vmem>>) target(%dma_start3A_118 : memref<80x128xf32, #tpu.memory_space<vmem_shared>>) target_semaphore(%arg15 : memref<!tpu.dma_semaphore, #tpu.memory_space<semaphore_mem>>)
    %add3A_119 = arith.constant 160 : i32
    %add3A_120 = arith.addi %mul3A_106, %add3A_119 : i32
    %dma_start3A_121 = arith.constant 0 : i32
    %dma_start3A_122 = tpu.memref_slice %arg14[%add3A_120, %dma_start3A_121] : memref<10240x128xf32, #tpu.memory_space<vmem_shared>> -> memref<80x128xf32, #tpu.memory_space<vmem_shared>>
    %dma_start3A_123 = arith.constant 0 : i32
    %dma_start3A_124 = tpu.memref_slice %arg14[%add3A_120, %dma_start3A_123] : memref<10240x128xf32, #tpu.memory_space<vmem_shared>> -> memref<80x128xf32, #tpu.memory_space<vmem_shared>>
    tpu.enqueue_dma source(%arg10 : memref<80x128xf32, #tpu.memory_space<vmem>>) target(%dma_start3A_124 : memref<80x128xf32, #tpu.memory_space<vmem_shared>>) target_semaphore(%arg15 : memref<!tpu.dma_semaphore, #tpu.memory_space<semaphore_mem>>)
    %add3A_125 = arith.constant 240 : i32
    %add3A_126 = arith.addi %mul3A_106, %add3A_125 : i32
    %dma_start3A_127 = arith.constant 0 : i32
    %dma_start3A_128 = tpu.memref_slice %arg14[%add3A_126, %dma_start3A_127] : memref<10240x128xf32, #tpu.memory_space<vmem_shared>> -> memref<80x128xf32, #tpu.memory_space<vmem_shared>>
    %dma_start3A_129 = arith.constant 0 : i32
    %dma_start3A_130 = tpu.memref_slice %arg14[%add3A_126, %dma_start3A_129] : memref<10240x128xf32, #tpu.memory_space<vmem_shared>> -> memref<80x128xf32, #tpu.memory_space<vmem_shared>>
    tpu.enqueue_dma source(%arg10 : memref<80x128xf32, #tpu.memory_space<vmem>>) target(%dma_start3A_130 : memref<80x128xf32, #tpu.memory_space<vmem_shared>>) target_semaphore(%arg15 : memref<!tpu.dma_semaphore, #tpu.memory_space<semaphore_mem>>)
    %add3A_131 = arith.constant 320 : i32
    %add3A_132 = arith.addi %mul3A_106, %add3A_131 : i32
    %dma_start3A_133 = arith.constant 0 : i32
    %dma_start3A_134 = tpu.memref_slice %arg14[%add3A_132, %dma_start3A_133] : memref<10240x128xf32, #tpu.memory_space<vmem_shared>> -> memref<80x128xf32, #tpu.memory_space<vmem_shared>>
    %dma_start3A_135 = arith.constant 0 : i32
    %dma_start3A_136 = tpu.memref_slice %arg14[%add3A_132, %dma_start3A_135] : memref<10240x128xf32, #tpu.memory_space<vmem_shared>> -> memref<80x128xf32, #tpu.memory_space<vmem_shared>>
    tpu.enqueue_dma source(%arg10 : memref<80x128xf32, #tpu.memory_space<vmem>>) target(%dma_start3A_136 : memref<80x128xf32, #tpu.memory_space<vmem_shared>>) target_semaphore(%arg15 : memref<!tpu.dma_semaphore, #tpu.memory_space<semaphore_mem>>)
    %add3A_137 = arith.constant 400 : i32
    %add3A_138 = arith.addi %mul3A_106, %add3A_137 : i32
    %dma_start3A_139 = arith.constant 0 : i32
    %dma_start3A_140 = tpu.memref_slice %arg14[%add3A_138, %dma_start3A_139] : memref<10240x128xf32, #tpu.memory_space<vmem_shared>> -> memref<80x128xf32, #tpu.memory_space<vmem_shared>>
    %dma_start3A_141 = arith.constant 0 : i32
    %dma_start3A_142 = tpu.memref_slice %arg14[%add3A_138, %dma_start3A_141] : memref<10240x128xf32, #tpu.memory_space<vmem_shared>> -> memref<80x128xf32, #tpu.memory_space<vmem_shared>>
    tpu.enqueue_dma source(%arg10 : memref<80x128xf32, #tpu.memory_space<vmem>>) target(%dma_start3A_142 : memref<80x128xf32, #tpu.memory_space<vmem_shared>>) target_semaphore(%arg15 : memref<!tpu.dma_semaphore, #tpu.memory_space<semaphore_mem>>)
    %add3A_143 = arith.constant 480 : i32
    %add3A_144 = arith.addi %mul3A_106, %add3A_143 : i32
    %dma_start3A_145 = arith.constant 0 : i32
    %dma_start3A_146 = tpu.memref_slice %arg14[%add3A_144, %dma_start3A_145] : memref<10240x128xf32, #tpu.memory_space<vmem_shared>> -> memref<80x128xf32, #tpu.memory_space<vmem_shared>>
    %dma_start3A_147 = arith.constant 0 : i32
    %dma_start3A_148 = tpu.memref_slice %arg14[%add3A_144, %dma_start3A_147] : memref<10240x128xf32, #tpu.memory_space<vmem_shared>> -> memref<80x128xf32, #tpu.memory_space<vmem_shared>>
    tpu.enqueue_dma source(%arg10 : memref<80x128xf32, #tpu.memory_space<vmem>>) target(%dma_start3A_148 : memref<80x128xf32, #tpu.memory_space<vmem_shared>>) target_semaphore(%arg15 : memref<!tpu.dma_semaphore, #tpu.memory_space<semaphore_mem>>)
    %add3A_149 = arith.constant 560 : i32
    %add3A_150 = arith.addi %mul3A_106, %add3A_149 : i32
    %dma_start3A_151 = arith.constant 0 : i32
    %dma_start3A_152 = tpu.memref_slice %arg14[%add3A_150, %dma_start3A_151] : memref<10240x128xf32, #tpu.memory_space<vmem_shared>> -> memref<80x128xf32, #tpu.memory_space<vmem_shared>>
    %dma_start3A_153 = arith.constant 0 : i32
    %dma_start3A_154 = tpu.memref_slice %arg14[%add3A_150, %dma_start3A_153] : memref<10240x128xf32, #tpu.memory_space<vmem_shared>> -> memref<80x128xf32, #tpu.memory_space<vmem_shared>>
    tpu.enqueue_dma source(%arg10 : memref<80x128xf32, #tpu.memory_space<vmem>>) target(%dma_start3A_154 : memref<80x128xf32, #tpu.memory_space<vmem_shared>>) target_semaphore(%arg15 : memref<!tpu.dma_semaphore, #tpu.memory_space<semaphore_mem>>)
    %add3A_155 = arith.constant 0 : i32
    %add3A_156 = arith.addi %mul3A_106, %add3A_155 : i32
    %dma_wait3A = arith.constant 0 : i32
    %dma_wait3A_157 = tpu.memref_slice %arg14[%add3A_156, %dma_wait3A] : memref<10240x128xf32, #tpu.memory_space<vmem_shared>> -> memref<80x128xf32, #tpu.memory_space<vmem_shared>>
    %dma_wait3A_158 = arith.constant 0 : i32
    %dma_wait3A_159 = tpu.memref_slice %arg14[%add3A_156, %dma_wait3A_158] : memref<10240x128xf32, #tpu.memory_space<vmem_shared>> -> memref<80x128xf32, #tpu.memory_space<vmem_shared>>
    tpu.wait_dma2 semaphore(%arg15 : memref<!tpu.dma_semaphore, #tpu.memory_space<semaphore_mem>>) src(%arg10 : memref<80x128xf32, #tpu.memory_space<vmem>>) dst(%dma_wait3A_159 : memref<80x128xf32, #tpu.memory_space<vmem_shared>>)
    %add3A_160 = arith.constant 80 : i32
    %add3A_161 = arith.addi %mul3A_106, %add3A_160 : i32
    %dma_wait3A_162 = arith.constant 0 : i32
    %dma_wait3A_163 = tpu.memref_slice %arg14[%add3A_161, %dma_wait3A_162] : memref<10240x128xf32, #tpu.memory_space<vmem_shared>> -> memref<80x128xf32, #tpu.memory_space<vmem_shared>>
    %dma_wait3A_164 = arith.constant 0 : i32
    %dma_wait3A_165 = tpu.memref_slice %arg14[%add3A_161, %dma_wait3A_164] : memref<10240x128xf32, #tpu.memory_space<vmem_shared>> -> memref<80x128xf32, #tpu.memory_space<vmem_shared>>
    tpu.wait_dma2 semaphore(%arg15 : memref<!tpu.dma_semaphore, #tpu.memory_space<semaphore_mem>>) src(%arg10 : memref<80x128xf32, #tpu.memory_space<vmem>>) dst(%dma_wait3A_165 : memref<80x128xf32, #tpu.memory_space<vmem_shared>>)
    %add3A_166 = arith.constant 160 : i32
    %add3A_167 = arith.addi %mul3A_106, %add3A_166 : i32
    %dma_wait3A_168 = arith.constant 0 : i32
    %dma_wait3A_169 = tpu.memref_slice %arg14[%add3A_167, %dma_wait3A_168] : memref<10240x128xf32, #tpu.memory_space<vmem_shared>> -> memref<80x128xf32, #tpu.memory_space<vmem_shared>>
    %dma_wait3A_170 = arith.constant 0 : i32
    %dma_wait3A_171 = tpu.memref_slice %arg14[%add3A_167, %dma_wait3A_170] : memref<10240x128xf32, #tpu.memory_space<vmem_shared>> -> memref<80x128xf32, #tpu.memory_space<vmem_shared>>
    tpu.wait_dma2 semaphore(%arg15 : memref<!tpu.dma_semaphore, #tpu.memory_space<semaphore_mem>>) src(%arg10 : memref<80x128xf32, #tpu.memory_space<vmem>>) dst(%dma_wait3A_171 : memref<80x128xf32, #tpu.memory_space<vmem_shared>>)
    %add3A_172 = arith.constant 240 : i32
    %add3A_173 = arith.addi %mul3A_106, %add3A_172 : i32
    %dma_wait3A_174 = arith.constant 0 : i32
    %dma_wait3A_175 = tpu.memref_slice %arg14[%add3A_173, %dma_wait3A_174] : memref<10240x128xf32, #tpu.memory_space<vmem_shared>> -> memref<80x128xf32, #tpu.memory_space<vmem_shared>>
    %dma_wait3A_176 = arith.constant 0 : i32
    %dma_wait3A_177 = tpu.memref_slice %arg14[%add3A_173, %dma_wait3A_176] : memref<10240x128xf32, #tpu.memory_space<vmem_shared>> -> memref<80x128xf32, #tpu.memory_space<vmem_shared>>
    tpu.wait_dma2 semaphore(%arg15 : memref<!tpu.dma_semaphore, #tpu.memory_space<semaphore_mem>>) src(%arg10 : memref<80x128xf32, #tpu.memory_space<vmem>>) dst(%dma_wait3A_177 : memref<80x128xf32, #tpu.memory_space<vmem_shared>>)
    %add3A_178 = arith.constant 320 : i32
    %add3A_179 = arith.addi %mul3A_106, %add3A_178 : i32
    %dma_wait3A_180 = arith.constant 0 : i32
    %dma_wait3A_181 = tpu.memref_slice %arg14[%add3A_179, %dma_wait3A_180] : memref<10240x128xf32, #tpu.memory_space<vmem_shared>> -> memref<80x128xf32, #tpu.memory_space<vmem_shared>>
    %dma_wait3A_182 = arith.constant 0 : i32
    %dma_wait3A_183 = tpu.memref_slice %arg14[%add3A_179, %dma_wait3A_182] : memref<10240x128xf32, #tpu.memory_space<vmem_shared>> -> memref<80x128xf32, #tpu.memory_space<vmem_shared>>
    tpu.wait_dma2 semaphore(%arg15 : memref<!tpu.dma_semaphore, #tpu.memory_space<semaphore_mem>>) src(%arg10 : memref<80x128xf32, #tpu.memory_space<vmem>>) dst(%dma_wait3A_183 : memref<80x128xf32, #tpu.memory_space<vmem_shared>>)
    %add3A_184 = arith.constant 400 : i32
    %add3A_185 = arith.addi %mul3A_106, %add3A_184 : i32
    %dma_wait3A_186 = arith.constant 0 : i32
    %dma_wait3A_187 = tpu.memref_slice %arg14[%add3A_185, %dma_wait3A_186] : memref<10240x128xf32, #tpu.memory_space<vmem_shared>> -> memref<80x128xf32, #tpu.memory_space<vmem_shared>>
    %dma_wait3A_188 = arith.constant 0 : i32
    %dma_wait3A_189 = tpu.memref_slice %arg14[%add3A_185, %dma_wait3A_188] : memref<10240x128xf32, #tpu.memory_space<vmem_shared>> -> memref<80x128xf32, #tpu.memory_space<vmem_shared>>
    tpu.wait_dma2 semaphore(%arg15 : memref<!tpu.dma_semaphore, #tpu.memory_space<semaphore_mem>>) src(%arg10 : memref<80x128xf32, #tpu.memory_space<vmem>>) dst(%dma_wait3A_189 : memref<80x128xf32, #tpu.memory_space<vmem_shared>>)
    %add3A_190 = arith.constant 480 : i32
    %add3A_191 = arith.addi %mul3A_106, %add3A_190 : i32
    %dma_wait3A_192 = arith.constant 0 : i32
    %dma_wait3A_193 = tpu.memref_slice %arg14[%add3A_191, %dma_wait3A_192] : memref<10240x128xf32, #tpu.memory_space<vmem_shared>> -> memref<80x128xf32, #tpu.memory_space<vmem_shared>>
    %dma_wait3A_194 = arith.constant 0 : i32
    %dma_wait3A_195 = tpu.memref_slice %arg14[%add3A_191, %dma_wait3A_194] : memref<10240x128xf32, #tpu.memory_space<vmem_shared>> -> memref<80x128xf32, #tpu.memory_space<vmem_shared>>
    tpu.wait_dma2 semaphore(%arg15 : memref<!tpu.dma_semaphore, #tpu.memory_space<semaphore_mem>>) src(%arg10 : memref<80x128xf32, #tpu.memory_space<vmem>>) dst(%dma_wait3A_195 : memref<80x128xf32, #tpu.memory_space<vmem_shared>>)
    %add3A_196 = arith.constant 560 : i32
    %add3A_197 = arith.addi %mul3A_106, %add3A_196 : i32
    %dma_wait3A_198 = arith.constant 0 : i32
    %dma_wait3A_199 = tpu.memref_slice %arg14[%add3A_197, %dma_wait3A_198] : memref<10240x128xf32, #tpu.memory_space<vmem_shared>> -> memref<80x128xf32, #tpu.memory_space<vmem_shared>>
    %dma_wait3A_200 = arith.constant 0 : i32
    %dma_wait3A_201 = tpu.memref_slice %arg14[%add3A_197, %dma_wait3A_200] : memref<10240x128xf32, #tpu.memory_space<vmem_shared>> -> memref<80x128xf32, #tpu.memory_space<vmem_shared>>
    tpu.wait_dma2 semaphore(%arg15 : memref<!tpu.dma_semaphore, #tpu.memory_space<semaphore_mem>>) src(%arg10 : memref<80x128xf32, #tpu.memory_space<vmem>>) dst(%dma_wait3A_201 : memref<80x128xf32, #tpu.memory_space<vmem_shared>>)
    %barrier3A = arith.constant 0 : index
    tpu.barrier barrier_id(%barrier3A)
    %dma_start3A_202 = arith.constant 0 : i32
    %dma_start3A_203 = arith.constant 0 : i32
    %dma_start3A_204 = tpu.memref_slice %arg8[%dma_start3A_202, %dma_start3A_203] : memref<1x80xi32, #tpu.memory_space<vmem>> -> memref<1x80xi32, #tpu.memory_space<vmem>>
    %dma_start3A_205 = tpu.memref_squeeze %dma_start3A_204 : memref<1x80xi32, #tpu.memory_space<vmem>> -> memref<80xi32, #tpu.memory_space<vmem>>
    %dma_start3A_206 = arith.constant 0 : i32
    %dma_start3A_207 = arith.constant 0 : i32
    %dma_start3A_208 = tpu.memref_slice %arg14[%dma_start3A_206, %dma_start3A_207] : memref<10240x128xf32, #tpu.memory_space<vmem_shared>> -> memref<10240x128xf32, #tpu.memory_space<vmem_shared>>
    tpu.enqueue_indirect_dma source(%arg10 : memref<80x128xf32, #tpu.memory_space<vmem>>) target(%dma_start3A_208 : memref<10240x128xf32, #tpu.memory_space<vmem_shared>>) offsets(%dma_start3A_205 : memref<80xi32, #tpu.memory_space<vmem>>) semaphore(%arg19 : memref<!tpu.dma_semaphore, #tpu.memory_space<semaphore_mem>>) {add = true}
    %dma_start3A_209 = arith.constant 0 : i32
    %dma_start3A_210 = arith.constant 0 : i32
    %dma_start3A_211 = tpu.memref_slice %arg9[%dma_start3A_209, %dma_start3A_210] : memref<1x80xi32, #tpu.memory_space<vmem>> -> memref<1x80xi32, #tpu.memory_space<vmem>>
    %dma_start3A_212 = tpu.memref_squeeze %dma_start3A_211 : memref<1x80xi32, #tpu.memory_space<vmem>> -> memref<80xi32, #tpu.memory_space<vmem>>
    %dma_start3A_213 = arith.constant 0 : i32
    %dma_start3A_214 = arith.constant 0 : i32
    %dma_start3A_215 = tpu.memref_slice %arg14[%dma_start3A_213, %dma_start3A_214] : memref<10240x128xf32, #tpu.memory_space<vmem_shared>> -> memref<10240x128xf32, #tpu.memory_space<vmem_shared>>
    tpu.enqueue_indirect_dma source(%arg11 : memref<80x128xf32, #tpu.memory_space<vmem>>) target(%dma_start3A_215 : memref<10240x128xf32, #tpu.memory_space<vmem_shared>>) offsets(%dma_start3A_212 : memref<80xi32, #tpu.memory_space<vmem>>) semaphore(%arg20 : memref<!tpu.dma_semaphore, #tpu.memory_space<semaphore_mem>>) {add = true}
    %dma_wait3A_216 = arith.constant 0 : i32
    %dma_wait3A_217 = arith.constant 0 : i32
    %dma_wait3A_218 = arith.constant 0 : i32
    %dma_wait3A_219 = tpu.memref_slice %arg4[%dma_wait3A_216, %dma_wait3A_217, %dma_wait3A_218] : memref<4000x2x80xi32, #tpu.memory_space<hbm>> -> memref<1x2x80xi32, #tpu.memory_space<hbm>>
    %dma_wait3A_220 = tpu.memref_squeeze %dma_wait3A_219 : memref<1x2x80xi32, #tpu.memory_space<hbm>> -> memref<2x80xi32, #tpu.memory_space<hbm>>
    %dma_wait3A_221 = arith.constant 0 : i32
    %dma_wait3A_222 = arith.constant 0 : i32
    %dma_wait3A_223 = tpu.memref_slice %arg4[%dma_wait3A_216, %dma_wait3A_221, %dma_wait3A_222] : memref<4000x2x80xi32, #tpu.memory_space<hbm>> -> memref<1x2x80xi32, #tpu.memory_space<hbm>>
    %dma_wait3A_224 = tpu.memref_squeeze %dma_wait3A_223 : memref<1x2x80xi32, #tpu.memory_space<hbm>> -> memref<2x80xi32, #tpu.memory_space<hbm>>
    tpu.wait_dma2 semaphore(%arg17 : memref<!tpu.dma_semaphore, #tpu.memory_space<semaphore_mem>>) src(%dma_wait3A_224 : memref<2x80xi32, #tpu.memory_space<hbm>>) dst(%arg6 : memref<2x80xi32, #tpu.memory_space<vmem>>)
    %dma_wait3A_225 = arith.constant 0 : i32
    %dma_wait3A_226 = arith.constant 0 : i32
    %dma_wait3A_227 = tpu.memref_slice %arg8[%dma_wait3A_225, %dma_wait3A_226] : memref<1x80xi32, #tpu.memory_space<vmem>> -> memref<1x80xi32, #tpu.memory_space<vmem>>
    %dma_wait3A_228 = tpu.memref_squeeze %dma_wait3A_227 : memref<1x80xi32, #tpu.memory_space<vmem>> -> memref<80xi32, #tpu.memory_space<vmem>>
    %dma_wait3A_229 = arith.constant 0 : i32
    %dma_wait3A_230 = arith.constant 0 : i32
    %dma_wait3A_231 = tpu.memref_slice %arg14[%dma_wait3A_229, %dma_wait3A_230] : memref<10240x128xf32, #tpu.memory_space<vmem_shared>> -> memref<10240x128xf32, #tpu.memory_space<vmem_shared>>
    tpu.wait_indirect_dma semaphore(%arg19 : memref<!tpu.dma_semaphore, #tpu.memory_space<semaphore_mem>>) src(%arg10 : memref<80x128xf32, #tpu.memory_space<vmem>>) dst(%dma_wait3A_231 : memref<10240x128xf32, #tpu.memory_space<vmem_shared>>)
    %add3A_232 = arith.constant 0 : i32
    %add3A_233 = arith.addi %mul3A_2, %add3A_232 : i32
    %dma_start3A_234 = arith.constant 1 : i32
    %dma_start3A_235 = arith.constant 0 : i32
    %dma_start3A_236 = tpu.memref_slice %arg6[%dma_start3A_234, %dma_start3A_235] : memref<2x80xi32, #tpu.memory_space<vmem>> -> memref<1x80xi32, #tpu.memory_space<vmem>>
    %dma_start3A_237 = tpu.memref_squeeze %dma_start3A_236 : memref<1x80xi32, #tpu.memory_space<vmem>> -> memref<80xi32, #tpu.memory_space<vmem>>
    %dma_start3A_238 = arith.constant 0 : i32
    %dma_start3A_239 = arith.constant 0 : i32
    %dma_start3A_240 = tpu.memref_slice %arg2[%dma_start3A_238, %dma_start3A_239] : memref<10000x128xf32, #tpu.memory_space<hbm>> -> memref<10000x128xf32, #tpu.memory_space<hbm>>
    tpu.enqueue_indirect_dma source(%dma_start3A_240 : memref<10000x128xf32, #tpu.memory_space<hbm>>) target(%arg10 : memref<80x128xf32, #tpu.memory_space<vmem>>) offsets(%dma_start3A_237 : memref<80xi32, #tpu.memory_space<vmem>>) semaphore(%arg15 : memref<!tpu.dma_semaphore, #tpu.memory_space<semaphore_mem>>)
    %dma_start3A_241 = arith.constant 0 : i32
    %dma_start3A_242 = arith.constant 0 : i32
    %dma_start3A_243 = tpu.memref_slice %arg3[%add3A_233, %dma_start3A_241, %dma_start3A_242] : memref<4000x80x128xf32, #tpu.memory_space<hbm>> -> memref<1x80x128xf32, #tpu.memory_space<hbm>>
    %dma_start3A_244 = tpu.memref_squeeze %dma_start3A_243 : memref<1x80x128xf32, #tpu.memory_space<hbm>> -> memref<80x128xf32, #tpu.memory_space<hbm>>
    %dma_start3A_245 = arith.constant 0 : i32
    %dma_start3A_246 = arith.constant 0 : i32
    %dma_start3A_247 = tpu.memref_slice %arg3[%add3A_233, %dma_start3A_245, %dma_start3A_246] : memref<4000x80x128xf32, #tpu.memory_space<hbm>> -> memref<1x80x128xf32, #tpu.memory_space<hbm>>
    %dma_start3A_248 = tpu.memref_squeeze %dma_start3A_247 : memref<1x80x128xf32, #tpu.memory_space<hbm>> -> memref<80x128xf32, #tpu.memory_space<hbm>>
    tpu.enqueue_dma source(%dma_start3A_248 : memref<80x128xf32, #tpu.memory_space<hbm>>) target(%arg12 : memref<80x128xf32, #tpu.memory_space<vmem>>) target_semaphore(%arg15 : memref<!tpu.dma_semaphore, #tpu.memory_space<semaphore_mem>>)
    %scan3A_249 = arith.constant 0 : i32
    %scan3A_250 = arith.constant 0 : i32
    %scan3A_251 = arith.constant 62 : i32
    %scan3A_252 = arith.addi %scan3A_250, %scan3A_251 : i32
    %scan3A_253 = arith.constant 1 : i32
    scf.for %scan3A_361 = %scan3A_250 to %scan3A_252 step %scan3A_253  : i32 {
      %mul3A_362 = arith.constant 2 : i32
      %mul3A_363 = arith.muli %mul3A_362, %scan3A_361 : i32
      %mul3A_364 = arith.constant 2 : i32
      %mul3A_365 = arith.muli %mul3A_364, %scan3A_361 : i32
      %add3A_366 = arith.constant 1 : i32
      %add3A_367 = arith.addi %mul3A_365, %add3A_366 : i32
      %dma_wait3A_368 = arith.constant 0 : i32
      %dma_wait3A_369 = arith.constant 0 : i32
      %dma_wait3A_370 = arith.constant 0 : i32
      %dma_wait3A_371 = tpu.memref_slice %arg4[%dma_wait3A_368, %dma_wait3A_369, %dma_wait3A_370] : memref<4000x2x80xi32, #tpu.memory_space<hbm>> -> memref<1x2x80xi32, #tpu.memory_space<hbm>>
      %dma_wait3A_372 = tpu.memref_squeeze %dma_wait3A_371 : memref<1x2x80xi32, #tpu.memory_space<hbm>> -> memref<2x80xi32, #tpu.memory_space<hbm>>
      %dma_wait3A_373 = arith.constant 0 : i32
      %dma_wait3A_374 = arith.constant 0 : i32
      %dma_wait3A_375 = tpu.memref_slice %arg4[%dma_wait3A_368, %dma_wait3A_373, %dma_wait3A_374] : memref<4000x2x80xi32, #tpu.memory_space<hbm>> -> memref<1x2x80xi32, #tpu.memory_space<hbm>>
      %dma_wait3A_376 = tpu.memref_squeeze %dma_wait3A_375 : memref<1x2x80xi32, #tpu.memory_space<hbm>> -> memref<2x80xi32, #tpu.memory_space<hbm>>
      tpu.wait_dma2 semaphore(%arg18 : memref<!tpu.dma_semaphore, #tpu.memory_space<semaphore_mem>>) src(%dma_wait3A_376 : memref<2x80xi32, #tpu.memory_space<hbm>>) dst(%arg7 : memref<2x80xi32, #tpu.memory_space<vmem>>)
      %dma_wait3A_377 = arith.constant 0 : i32
      %dma_wait3A_378 = arith.constant 0 : i32
      %dma_wait3A_379 = tpu.memref_slice %arg9[%dma_wait3A_377, %dma_wait3A_378] : memref<1x80xi32, #tpu.memory_space<vmem>> -> memref<1x80xi32, #tpu.memory_space<vmem>>
      %dma_wait3A_380 = tpu.memref_squeeze %dma_wait3A_379 : memref<1x80xi32, #tpu.memory_space<vmem>> -> memref<80xi32, #tpu.memory_space<vmem>>
      %dma_wait3A_381 = arith.constant 0 : i32
      %dma_wait3A_382 = arith.constant 0 : i32
      %dma_wait3A_383 = tpu.memref_slice %arg14[%dma_wait3A_381, %dma_wait3A_382] : memref<10240x128xf32, #tpu.memory_space<vmem_shared>> -> memref<10240x128xf32, #tpu.memory_space<vmem_shared>>
      tpu.wait_indirect_dma semaphore(%arg20 : memref<!tpu.dma_semaphore, #tpu.memory_space<semaphore_mem>>) src(%arg11 : memref<80x128xf32, #tpu.memory_space<vmem>>) dst(%dma_wait3A_383 : memref<10240x128xf32, #tpu.memory_space<vmem_shared>>)
      %add3A_384 = arith.constant 1 : i32
      %add3A_385 = arith.addi %mul3A_363, %add3A_384 : i32
      %add3A_386 = arith.addi %mul3A_2, %add3A_385 : i32
      %dma_start3A_387 = arith.constant 1 : i32
      %dma_start3A_388 = arith.constant 0 : i32
      %dma_start3A_389 = tpu.memref_slice %arg7[%dma_start3A_387, %dma_start3A_388] : memref<2x80xi32, #tpu.memory_space<vmem>> -> memref<1x80xi32, #tpu.memory_space<vmem>>
      %dma_start3A_390 = tpu.memref_squeeze %dma_start3A_389 : memref<1x80xi32, #tpu.memory_space<vmem>> -> memref<80xi32, #tpu.memory_space<vmem>>
      %dma_start3A_391 = arith.constant 0 : i32
      %dma_start3A_392 = arith.constant 0 : i32
      %dma_start3A_393 = tpu.memref_slice %arg2[%dma_start3A_391, %dma_start3A_392] : memref<10000x128xf32, #tpu.memory_space<hbm>> -> memref<10000x128xf32, #tpu.memory_space<hbm>>
      tpu.enqueue_indirect_dma source(%dma_start3A_393 : memref<10000x128xf32, #tpu.memory_space<hbm>>) target(%arg11 : memref<80x128xf32, #tpu.memory_space<vmem>>) offsets(%dma_start3A_390 : memref<80xi32, #tpu.memory_space<vmem>>) semaphore(%arg16 : memref<!tpu.dma_semaphore, #tpu.memory_space<semaphore_mem>>)
      %dma_start3A_394 = arith.constant 0 : i32
      %dma_start3A_395 = arith.constant 0 : i32
      %dma_start3A_396 = tpu.memref_slice %arg3[%add3A_386, %dma_start3A_394, %dma_start3A_395] : memref<4000x80x128xf32, #tpu.memory_space<hbm>> -> memref<1x80x128xf32, #tpu.memory_space<hbm>>
      %dma_start3A_397 = tpu.memref_squeeze %dma_start3A_396 : memref<1x80x128xf32, #tpu.memory_space<hbm>> -> memref<80x128xf32, #tpu.memory_space<hbm>>
      %dma_start3A_398 = arith.constant 0 : i32
      %dma_start3A_399 = arith.constant 0 : i32
      %dma_start3A_400 = tpu.memref_slice %arg3[%add3A_386, %dma_start3A_398, %dma_start3A_399] : memref<4000x80x128xf32, #tpu.memory_space<hbm>> -> memref<1x80x128xf32, #tpu.memory_space<hbm>>
      %dma_start3A_401 = tpu.memref_squeeze %dma_start3A_400 : memref<1x80x128xf32, #tpu.memory_space<hbm>> -> memref<80x128xf32, #tpu.memory_space<hbm>>
      tpu.enqueue_dma source(%dma_start3A_401 : memref<80x128xf32, #tpu.memory_space<hbm>>) target(%arg13 : memref<80x128xf32, #tpu.memory_space<vmem>>) target_semaphore(%arg16 : memref<!tpu.dma_semaphore, #tpu.memory_space<semaphore_mem>>)
      %dma_wait3A_402 = arith.constant 0 : i32
      %dma_wait3A_403 = arith.constant 0 : i32
      %dma_wait3A_404 = tpu.memref_slice %arg2[%dma_wait3A_402, %dma_wait3A_403] : memref<10000x128xf32, #tpu.memory_space<hbm>> -> memref<80x128xf32, #tpu.memory_space<hbm>>
      %dma_wait3A_405 = arith.constant 0 : i32
      %dma_wait3A_406 = arith.constant 0 : i32
      %dma_wait3A_407 = tpu.memref_slice %arg2[%dma_wait3A_405, %dma_wait3A_406] : memref<10000x128xf32, #tpu.memory_space<hbm>> -> memref<80x128xf32, #tpu.memory_space<hbm>>
      tpu.wait_dma2 semaphore(%arg15 : memref<!tpu.dma_semaphore, #tpu.memory_space<semaphore_mem>>) src(%dma_wait3A_407 : memref<80x128xf32, #tpu.memory_space<hbm>>) dst(%arg10 : memref<80x128xf32, #tpu.memory_space<vmem>>)
      %dma_wait3A_408 = arith.constant 0 : i32
      %dma_wait3A_409 = arith.constant 0 : i32
      %dma_wait3A_410 = arith.constant 0 : i32
      %dma_wait3A_411 = tpu.memref_slice %arg3[%dma_wait3A_408, %dma_wait3A_409, %dma_wait3A_410] : memref<4000x80x128xf32, #tpu.memory_space<hbm>> -> memref<1x80x128xf32, #tpu.memory_space<hbm>>
      %dma_wait3A_412 = tpu.memref_squeeze %dma_wait3A_411 : memref<1x80x128xf32, #tpu.memory_space<hbm>> -> memref<80x128xf32, #tpu.memory_space<hbm>>
      %dma_wait3A_413 = arith.constant 0 : i32
      %dma_wait3A_414 = arith.constant 0 : i32
      %dma_wait3A_415 = tpu.memref_slice %arg3[%dma_wait3A_408, %dma_wait3A_413, %dma_wait3A_414] : memref<4000x80x128xf32, #tpu.memory_space<hbm>> -> memref<1x80x128xf32, #tpu.memory_space<hbm>>
      %dma_wait3A_416 = tpu.memref_squeeze %dma_wait3A_415 : memref<1x80x128xf32, #tpu.memory_space<hbm>> -> memref<80x128xf32, #tpu.memory_space<hbm>>
      tpu.wait_dma2 semaphore(%arg15 : memref<!tpu.dma_semaphore, #tpu.memory_space<semaphore_mem>>) src(%dma_wait3A_416 : memref<80x128xf32, #tpu.memory_space<hbm>>) dst(%arg12 : memref<80x128xf32, #tpu.memory_space<vmem>>)
      %get3A_417 = arith.constant 0 : i32
      %get3A_418 = arith.index_cast %get3A_417 : i32 to index
      %get3A_419 = arith.constant 0 : index
      %get3A_420 = tpu.vector_load %arg6[%get3A_418, %get3A_419] {strides = array<i32>} : memref<2x80xi32, #tpu.memory_space<vmem>>, vector<1x16xi32>,
      %get3A_421 = vector.shape_cast %get3A_420 : vector<1x16xi32> to vector<16xi32>
      %swap3A_422 = arith.constant 0 : i32
      %swap3A_423 = arith.index_cast %swap3A_422 : i32 to index
      %swap3A_424 = arith.constant 0 : index
      %swap3A_425 = tpu.vector_load %arg8[%swap3A_423, %swap3A_424] {strides = array<i32>} : memref<1x80xi32, #tpu.memory_space<vmem>>, vector<1x16xi32>,
      %swap3A_426 = vector.shape_cast %swap3A_425 : vector<1x16xi32> to vector<16xi32>
      %swap3A_427 = vector.shape_cast %get3A_421 : vector<16xi32> to vector<1x16xi32>
      tpu.vector_store %arg8[%swap3A_423, %swap3A_424], %swap3A_427 {strides = array<i32>} : memref<1x80xi32, #tpu.memory_space<vmem>>, vector<1x16xi32>,
      %get3A_428 = arith.constant 0 : i32
      %get3A_429 = arith.index_cast %get3A_428 : i32 to index
      %get3A_430 = arith.constant 16 : index
      %get3A_431 = tpu.vector_load %arg6[%get3A_429, %get3A_430] {strides = array<i32>} : memref<2x80xi32, #tpu.memory_space<vmem>>, vector<1x16xi32>,
      %get3A_432 = vector.shape_cast %get3A_431 : vector<1x16xi32> to vector<16xi32>
      %swap3A_433 = arith.constant 0 : i32
      %swap3A_434 = arith.index_cast %swap3A_433 : i32 to index
      %swap3A_435 = arith.constant 16 : index
      %swap3A_436 = tpu.vector_load %arg8[%swap3A_434, %swap3A_435] {strides = array<i32>} : memref<1x80xi32, #tpu.memory_space<vmem>>, vector<1x16xi32>,
      %swap3A_437 = vector.shape_cast %swap3A_436 : vector<1x16xi32> to vector<16xi32>
      %swap3A_438 = vector.shape_cast %get3A_432 : vector<16xi32> to vector<1x16xi32>
      tpu.vector_store %arg8[%swap3A_434, %swap3A_435], %swap3A_438 {strides = array<i32>} : memref<1x80xi32, #tpu.memory_space<vmem>>, vector<1x16xi32>,
      %get3A_439 = arith.constant 0 : i32
      %get3A_440 = arith.index_cast %get3A_439 : i32 to index
      %get3A_441 = arith.constant 32 : index
      %get3A_442 = tpu.vector_load %arg6[%get3A_440, %get3A_441] {strides = array<i32>} : memref<2x80xi32, #tpu.memory_space<vmem>>, vector<1x16xi32>,
      %get3A_443 = vector.shape_cast %get3A_442 : vector<1x16xi32> to vector<16xi32>
      %swap3A_444 = arith.constant 0 : i32
      %swap3A_445 = arith.index_cast %swap3A_444 : i32 to index
      %swap3A_446 = arith.constant 32 : index
      %swap3A_447 = tpu.vector_load %arg8[%swap3A_445, %swap3A_446] {strides = array<i32>} : memref<1x80xi32, #tpu.memory_space<vmem>>, vector<1x16xi32>,
      %swap3A_448 = vector.shape_cast %swap3A_447 : vector<1x16xi32> to vector<16xi32>
      %swap3A_449 = vector.shape_cast %get3A_443 : vector<16xi32> to vector<1x16xi32>
      tpu.vector_store %arg8[%swap3A_445, %swap3A_446], %swap3A_449 {strides = array<i32>} : memref<1x80xi32, #tpu.memory_space<vmem>>, vector<1x16xi32>,
      %get3A_450 = arith.constant 0 : i32
      %get3A_451 = arith.index_cast %get3A_450 : i32 to index
      %get3A_452 = arith.constant 48 : index
      %get3A_453 = tpu.vector_load %arg6[%get3A_451, %get3A_452] {strides = array<i32>} : memref<2x80xi32, #tpu.memory_space<vmem>>, vector<1x16xi32>,
      %get3A_454 = vector.shape_cast %get3A_453 : vector<1x16xi32> to vector<16xi32>
      %swap3A_455 = arith.constant 0 : i32
      %swap3A_456 = arith.index_cast %swap3A_455 : i32 to index
      %swap3A_457 = arith.constant 48 : index
      %swap3A_458 = tpu.vector_load %arg8[%swap3A_456, %swap3A_457] {strides = array<i32>} : memref<1x80xi32, #tpu.memory_space<vmem>>, vector<1x16xi32>,
      %swap3A_459 = vector.shape_cast %swap3A_458 : vector<1x16xi32> to vector<16xi32>
      %swap3A_460 = vector.shape_cast %get3A_454 : vector<16xi32> to vector<1x16xi32>
      tpu.vector_store %arg8[%swap3A_456, %swap3A_457], %swap3A_460 {strides = array<i32>} : memref<1x80xi32, #tpu.memory_space<vmem>>, vector<1x16xi32>,
      %get3A_461 = arith.constant 0 : i32
      %get3A_462 = arith.index_cast %get3A_461 : i32 to index
      %get3A_463 = arith.constant 64 : index
      %get3A_464 = tpu.vector_load %arg6[%get3A_462, %get3A_463] {strides = array<i32>} : memref<2x80xi32, #tpu.memory_space<vmem>>, vector<1x16xi32>,
      %get3A_465 = vector.shape_cast %get3A_464 : vector<1x16xi32> to vector<16xi32>
      %swap3A_466 = arith.constant 0 : i32
      %swap3A_467 = arith.index_cast %swap3A_466 : i32 to index
      %swap3A_468 = arith.constant 64 : index
      %swap3A_469 = tpu.vector_load %arg8[%swap3A_467, %swap3A_468] {strides = array<i32>} : memref<1x80xi32, #tpu.memory_space<vmem>>, vector<1x16xi32>,
      %swap3A_470 = vector.shape_cast %swap3A_469 : vector<1x16xi32> to vector<16xi32>
      %swap3A_471 = vector.shape_cast %get3A_465 : vector<16xi32> to vector<1x16xi32>
      tpu.vector_store %arg8[%swap3A_467, %swap3A_468], %swap3A_471 {strides = array<i32>} : memref<1x80xi32, #tpu.memory_space<vmem>>, vector<1x16xi32>,
      %scan3A_472 = arith.constant 0 : i32
      %scan3A_473 = arith.constant 0 : i32
      %scan3A_474 = arith.constant 40 : i32
      %scan3A_475 = arith.addi %scan3A_473, %scan3A_474 : i32
      %scan3A_476 = arith.constant 1 : i32
      scf.for %scan3A_627 = %scan3A_473 to %scan3A_475 step %scan3A_476  : i32 {
        %mul3A_628 = arith.constant 2 : i32
        %mul3A_629 = arith.muli %mul3A_628, %scan3A_627 : i32
        %multiple_of3A = tpu.assume_multiple %mul3A_629, 2 : i32
        %add3A_630 = arith.constant 1 : i32
        %add3A_631 = arith.addi %multiple_of3A, %add3A_630 : i32
        %get3A_632 = arith.index_cast %multiple_of3A : i32 to index
        %get3A_633 = arith.constant 0 : index
        %get3A_634 = tpu.vector_load %arg10[%get3A_632, %get3A_633] {strides = array<i32>} : memref<80x128xf32, #tpu.memory_space<vmem>>, vector<1x16xf32>,
        %get3A_635 = vector.shape_cast %get3A_634 : vector<1x16xf32> to vector<16xf32>
        %get3A_636 = arith.index_cast %multiple_of3A : i32 to index
        %get3A_637 = arith.constant 0 : index
        %get3A_638 = tpu.vector_load %arg12[%get3A_636, %get3A_637] {strides = array<i32>} : memref<80x128xf32, #tpu.memory_space<vmem>>, vector<1x16xf32>,
        %get3A_639 = vector.shape_cast %get3A_638 : vector<1x16xf32> to vector<16xf32>
        %mul3A_640 = arith.mulf %get3A_635, %get3A_639 : vector<16xf32>
        %swap3A_641 = arith.index_cast %multiple_of3A : i32 to index
        %swap3A_642 = arith.constant 0 : index
        %swap3A_643 = tpu.vector_load %arg10[%swap3A_641, %swap3A_642] {strides = array<i32>} : memref<80x128xf32, #tpu.memory_space<vmem>>, vector<1x16xf32>,
        %swap3A_644 = vector.shape_cast %swap3A_643 : vector<1x16xf32> to vector<16xf32>
        %swap3A_645 = vector.shape_cast %mul3A_640 : vector<16xf32> to vector<1x16xf32>
        tpu.vector_store %arg10[%swap3A_641, %swap3A_642], %swap3A_645 {strides = array<i32>} : memref<80x128xf32, #tpu.memory_space<vmem>>, vector<1x16xf32>,
        %get3A_646 = arith.index_cast %multiple_of3A : i32 to index
        %get3A_647 = arith.constant 16 : index
        %get3A_648 = tpu.vector_load %arg10[%get3A_646, %get3A_647] {strides = array<i32>} : memref<80x128xf32, #tpu.memory_space<vmem>>, vector<1x16xf32>,
        %get3A_649 = vector.shape_cast %get3A_648 : vector<1x16xf32> to vector<16xf32>
        %get3A_650 = arith.index_cast %multiple_of3A : i32 to index
        %get3A_651 = arith.constant 16 : index
        %get3A_652 = tpu.vector_load %arg12[%get3A_650, %get3A_651] {strides = array<i32>} : memref<80x128xf32, #tpu.memory_space<vmem>>, vector<1x16xf32>,
        %get3A_653 = vector.shape_cast %get3A_652 : vector<1x16xf32> to vector<16xf32>
        %mul3A_654 = arith.mulf %get3A_649, %get3A_653 : vector<16xf32>
        %swap3A_655 = arith.index_cast %multiple_of3A : i32 to index
        %swap3A_656 = arith.constant 16 : index
        %swap3A_657 = tpu.vector_load %arg10[%swap3A_655, %swap3A_656] {strides = array<i32>} : memref<80x128xf32, #tpu.memory_space<vmem>>, vector<1x16xf32>,
        %swap3A_658 = vector.shape_cast %swap3A_657 : vector<1x16xf32> to vector<16xf32>
        %swap3A_659 = vector.shape_cast %mul3A_654 : vector<16xf32> to vector<1x16xf32>
        tpu.vector_store %arg10[%swap3A_655, %swap3A_656], %swap3A_659 {strides = array<i32>} : memref<80x128xf32, #tpu.memory_space<vmem>>, vector<1x16xf32>,
        %get3A_660 = arith.index_cast %multiple_of3A : i32 to index
        %get3A_661 = arith.constant 32 : index
        %get3A_662 = tpu.vector_load %arg10[%get3A_660, %get3A_661] {strides = array<i32>} : memref<80x128xf32, #tpu.memory_space<vmem>>, vector<1x16xf32>,
        %get3A_663 = vector.shape_cast %get3A_662 : vector<1x16xf32> to vector<16xf32>
        %get3A_664 = arith.index_cast %multiple_of3A : i32 to index
        %get3A_665 = arith.constant 32 : index
        %get3A_666 = tpu.vector_load %arg12[%get3A_664, %get3A_665] {strides = array<i32>} : memref<80x128xf32, #tpu.memory_space<vmem>>, vector<1x16xf32>,
        %get3A_667 = vector.shape_cast %get3A_666 : vector<1x16xf32> to vector<16xf32>
        %mul3A_668 = arith.mulf %get3A_663, %get3A_667 : vector<16xf32>
        %swap3A_669 = arith.index_cast %multiple_of3A : i32 to index
        %swap3A_670 = arith.constant 32 : index
        %swap3A_671 = tpu.vector_load %arg10[%swap3A_669, %swap3A_670] {strides = array<i32>} : memref<80x128xf32, #tpu.memory_space<vmem>>, vector<1x16xf32>,
        %swap3A_672 = vector.shape_cast %swap3A_671 : vector<1x16xf32> to vector<16xf32>
        %swap3A_673 = vector.shape_cast %mul3A_668 : vector<16xf32> to vector<1x16xf32>
        tpu.vector_store %arg10[%swap3A_669, %swap3A_670], %swap3A_673 {strides = array<i32>} : memref<80x128xf32, #tpu.memory_space<vmem>>, vector<1x16xf32>,
        %get3A_674 = arith.index_cast %multiple_of3A : i32 to index
        %get3A_675 = arith.constant 48 : index
        %get3A_676 = tpu.vector_load %arg10[%get3A_674, %get3A_675] {strides = array<i32>} : memref<80x128xf32, #tpu.memory_space<vmem>>, vector<1x16xf32>,
        %get3A_677 = vector.shape_cast %get3A_676 : vector<1x16xf32> to vector<16xf32>
        %get3A_678 = arith.index_cast %multiple_of3A : i32 to index
        %get3A_679 = arith.constant 48 : index
        %get3A_680 = tpu.vector_load %arg12[%get3A_678, %get3A_679] {strides = array<i32>} : memref<80x128xf32, #tpu.memory_space<vmem>>, vector<1x16xf32>,
        %get3A_681 = vector.shape_cast %get3A_680 : vector<1x16xf32> to vector<16xf32>
        %mul3A_682 = arith.mulf %get3A_677, %get3A_681 : vector<16xf32>
        %swap3A_683 = arith.index_cast %multiple_of3A : i32 to index
        %swap3A_684 = arith.constant 48 : index
        %swap3A_685 = tpu.vector_load %arg10[%swap3A_683, %swap3A_684] {strides = array<i32>} : memref<80x128xf32, #tpu.memory_space<vmem>>, vector<1x16xf32>,
        %swap3A_686 = vector.shape_cast %swap3A_685 : vector<1x16xf32> to vector<16xf32>
        %swap3A_687 = vector.shape_cast %mul3A_682 : vector<16xf32> to vector<1x16xf32>
        tpu.vector_store %arg10[%swap3A_683, %swap3A_684], %swap3A_687 {strides = array<i32>} : memref<80x128xf32, #tpu.memory_space<vmem>>, vector<1x16xf32>,
        %get3A_688 = arith.index_cast %multiple_of3A : i32 to index
        %get3A_689 = arith.constant 64 : index
        %get3A_690 = tpu.vector_load %arg10[%get3A_688, %get3A_689] {strides = array<i32>} : memref<80x128xf32, #tpu.memory_space<vmem>>, vector<1x16xf32>,
        %get3A_691 = vector.shape_cast %get3A_690 : vector<1x16xf32> to vector<16xf32>
        %get3A_692 = arith.index_cast %multiple_of3A : i32 to index
        %get3A_693 = arith.constant 64 : index
        %get3A_694 = tpu.vector_load %arg12[%get3A_692, %get3A_693] {strides = array<i32>} : memref<80x128xf32, #tpu.memory_space<vmem>>, vector<1x16xf32>,
        %get3A_695 = vector.shape_cast %get3A_694 : vector<1x16xf32> to vector<16xf32>
        %mul3A_696 = arith.mulf %get3A_691, %get3A_695 : vector<16xf32>
        %swap3A_697 = arith.index_cast %multiple_of3A : i32 to index
        %swap3A_698 = arith.constant 64 : index
        %swap3A_699 = tpu.vector_load %arg10[%swap3A_697, %swap3A_698] {strides = array<i32>} : memref<80x128xf32, #tpu.memory_space<vmem>>, vector<1x16xf32>,
        %swap3A_700 = vector.shape_cast %swap3A_699 : vector<1x16xf32> to vector<16xf32>
        %swap3A_701 = vector.shape_cast %mul3A_696 : vector<16xf32> to vector<1x16xf32>
        tpu.vector_store %arg10[%swap3A_697, %swap3A_698], %swap3A_701 {strides = array<i32>} : memref<80x128xf32, #tpu.memory_space<vmem>>, vector<1x16xf32>,
        %get3A_702 = arith.index_cast %multiple_of3A : i32 to index
        %get3A_703 = arith.constant 80 : index
        %get3A_704 = tpu.vector_load %arg10[%get3A_702, %get3A_703] {strides = array<i32>} : memref<80x128xf32, #tpu.memory_space<vmem>>, vector<1x16xf32>,
        %get3A_705 = vector.shape_cast %get3A_704 : vector<1x16xf32> to vector<16xf32>
        %get3A_706 = arith.index_cast %multiple_of3A : i32 to index
        %get3A_707 = arith.constant 80 : index
        %get3A_708 = tpu.vector_load %arg12[%get3A_706, %get3A_707] {strides = array<i32>} : memref<80x128xf32, #tpu.memory_space<vmem>>, vector<1x16xf32>,
        %get3A_709 = vector.shape_cast %get3A_708 : vector<1x16xf32> to vector<16xf32>
        %mul3A_710 = arith.mulf %get3A_705, %get3A_709 : vector<16xf32>
        %swap3A_711 = arith.index_cast %multiple_of3A : i32 to index
        %swap3A_712 = arith.constant 80 : index
        %swap3A_713 = tpu.vector_load %arg10[%swap3A_711, %swap3A_712] {strides = array<i32>} : memref<80x128xf32, #tpu.memory_space<vmem>>, vector<1x16xf32>,
        %swap3A_714 = vector.shape_cast %swap3A_713 : vector<1x16xf32> to vector<16xf32>
        %swap3A_715 = vector.shape_cast %mul3A_710 : vector<16xf32> to vector<1x16xf32>
        tpu.vector_store %arg10[%swap3A_711, %swap3A_712], %swap3A_715 {strides = array<i32>} : memref<80x128xf32, #tpu.memory_space<vmem>>, vector<1x16xf32>,
        %get3A_716 = arith.index_cast %multiple_of3A : i32 to index
        %get3A_717 = arith.constant 96 : index
        %get3A_718 = tpu.vector_load %arg10[%get3A_716, %get3A_717] {strides = array<i32>} : memref<80x128xf32, #tpu.memory_space<vmem>>, vector<1x16xf32>,
        %get3A_719 = vector.shape_cast %get3A_718 : vector<1x16xf32> to vector<16xf32>
        %get3A_720 = arith.index_cast %multiple_of3A : i32 to index
        %get3A_721 = arith.constant 96 : index
        %get3A_722 = tpu.vector_load %arg12[%get3A_720, %get3A_721] {strides = array<i32>} : memref<80x128xf32, #tpu.memory_space<vmem>>, vector<1x16xf32>,
        %get3A_723 = vector.shape_cast %get3A_722 : vector<1x16xf32> to vector<16xf32>
        %mul3A_724 = arith.mulf %get3A_719, %get3A_723 : vector<16xf32>
        %swap3A_725 = arith.index_cast %multiple_of3A : i32 to index
        %swap3A_726 = arith.constant 96 : index
        %swap3A_727 = tpu.vector_load %arg10[%swap3A_725, %swap3A_726] {strides = array<i32>} : memref<80x128xf32, #tpu.memory_space<vmem>>, vector<1x16xf32>,
        %swap3A_728 = vector.shape_cast %swap3A_727 : vector<1x16xf32> to vector<16xf32>
        %swap3A_729 = vector.shape_cast %mul3A_724 : vector<16xf32> to vector<1x16xf32>
        tpu.vector_store %arg10[%swap3A_725, %swap3A_726], %swap3A_729 {strides = array<i32>} : memref<80x128xf32, #tpu.memory_space<vmem>>, vector<1x16xf32>,
        %get3A_730 = arith.index_cast %multiple_of3A : i32 to index
        %get3A_731 = arith.constant 112 : index
        %get3A_732 = tpu.vector_load %arg10[%get3A_730, %get3A_731] {strides = array<i32>} : memref<80x128xf32, #tpu.memory_space<vmem>>, vector<1x16xf32>,
        %get3A_733 = vector.shape_cast %get3A_732 : vector<1x16xf32> to vector<16xf32>
        %get3A_734 = arith.index_cast %multiple_of3A : i32 to index
        %get3A_735 = arith.constant 112 : index
        %get3A_736 = tpu.vector_load %arg12[%get3A_734, %get3A_735] {strides = array<i32>} : memref<80x128xf32, #tpu.memory_space<vmem>>, vector<1x16xf32>,
        %get3A_737 = vector.shape_cast %get3A_736 : vector<1x16xf32> to vector<16xf32>
        %mul3A_738 = arith.mulf %get3A_733, %get3A_737 : vector<16xf32>
        %swap3A_739 = arith.index_cast %multiple_of3A : i32 to index
        %swap3A_740 = arith.constant 112 : index
        %swap3A_741 = tpu.vector_load %arg10[%swap3A_739, %swap3A_740] {strides = array<i32>} : memref<80x128xf32, #tpu.memory_space<vmem>>, vector<1x16xf32>,
        %swap3A_742 = vector.shape_cast %swap3A_741 : vector<1x16xf32> to vector<16xf32>
        %swap3A_743 = vector.shape_cast %mul3A_738 : vector<16xf32> to vector<1x16xf32>
        tpu.vector_store %arg10[%swap3A_739, %swap3A_740], %swap3A_743 {strides = array<i32>} : memref<80x128xf32, #tpu.memory_space<vmem>>, vector<1x16xf32>,
        %get3A_744 = arith.index_cast %add3A_631 : i32 to index
        %get3A_745 = arith.constant 0 : index
        %get3A_746 = tpu.vector_load %arg10[%get3A_744, %get3A_745] {strides = array<i32>} : memref<80x128xf32, #tpu.memory_space<vmem>>, vector<1x16xf32>,
        %get3A_747 = vector.shape_cast %get3A_746 : vector<1x16xf32> to vector<16xf32>
        %get3A_748 = arith.index_cast %add3A_631 : i32 to index
        %get3A_749 = arith.constant 0 : index
        %get3A_750 = tpu.vector_load %arg12[%get3A_748, %get3A_749] {strides = array<i32>} : memref<80x128xf32, #tpu.memory_space<vmem>>, vector<1x16xf32>,
        %get3A_751 = vector.shape_cast %get3A_750 : vector<1x16xf32> to vector<16xf32>
        %mul3A_752 = arith.mulf %get3A_747, %get3A_751 : vector<16xf32>
        %swap3A_753 = arith.index_cast %add3A_631 : i32 to index
        %swap3A_754 = arith.constant 0 : index
        %swap3A_755 = tpu.vector_load %arg10[%swap3A_753, %swap3A_754] {strides = array<i32>} : memref<80x128xf32, #tpu.memory_space<vmem>>, vector<1x16xf32>,
        %swap3A_756 = vector.shape_cast %swap3A_755 : vector<1x16xf32> to vector<16xf32>
        %swap3A_757 = vector.shape_cast %mul3A_752 : vector<16xf32> to vector<1x16xf32>
        tpu.vector_store %arg10[%swap3A_753, %swap3A_754], %swap3A_757 {strides = array<i32>} : memref<80x128xf32, #tpu.memory_space<vmem>>, vector<1x16xf32>,
        %get3A_758 = arith.index_cast %add3A_631 : i32 to index
        %get3A_759 = arith.constant 16 : index
        %get3A_760 = tpu.vector_load %arg10[%get3A_758, %get3A_759] {strides = array<i32>} : memref<80x128xf32, #tpu.memory_space<vmem>>, vector<1x16xf32>,
        %get3A_761 = vector.shape_cast %get3A_760 : vector<1x16xf32> to vector<16xf32>
        %get3A_762 = arith.index_cast %add3A_631 : i32 to index
        %get3A_763 = arith.constant 16 : index
        %get3A_764 = tpu.vector_load %arg12[%get3A_762, %get3A_763] {strides = array<i32>} : memref<80x128xf32, #tpu.memory_space<vmem>>, vector<1x16xf32>,
        %get3A_765 = vector.shape_cast %get3A_764 : vector<1x16xf32> to vector<16xf32>
        %mul3A_766 = arith.mulf %get3A_761, %get3A_765 : vector<16xf32>
        %swap3A_767 = arith.index_cast %add3A_631 : i32 to index
        %swap3A_768 = arith.constant 16 : index
        %swap3A_769 = tpu.vector_load %arg10[%swap3A_767, %swap3A_768] {strides = array<i32>} : memref<80x128xf32, #tpu.memory_space<vmem>>, vector<1x16xf32>,
        %swap3A_770 = vector.shape_cast %swap3A_769 : vector<1x16xf32> to vector<16xf32>
        %swap3A_771 = vector.shape_cast %mul3A_766 : vector<16xf32> to vector<1x16xf32>
        tpu.vector_store %arg10[%swap3A_767, %swap3A_768], %swap3A_771 {strides = array<i32>} : memref<80x128xf32, #tpu.memory_space<vmem>>, vector<1x16xf32>,
        %get3A_772 = arith.index_cast %add3A_631 : i32 to index
        %get3A_773 = arith.constant 32 : index
        %get3A_774 = tpu.vector_load %arg10[%get3A_772, %get3A_773] {strides = array<i32>} : memref<80x128xf32, #tpu.memory_space<vmem>>, vector<1x16xf32>,
        %get3A_775 = vector.shape_cast %get3A_774 : vector<1x16xf32> to vector<16xf32>
        %get3A_776 = arith.index_cast %add3A_631 : i32 to index
        %get3A_777 = arith.constant 32 : index
        %get3A_778 = tpu.vector_load %arg12[%get3A_776, %get3A_777] {strides = array<i32>} : memref<80x128xf32, #tpu.memory_space<vmem>>, vector<1x16xf32>,
        %get3A_779 = vector.shape_cast %get3A_778 : vector<1x16xf32> to vector<16xf32>
        %mul3A_780 = arith.mulf %get3A_775, %get3A_779 : vector<16xf32>
        %swap3A_781 = arith.index_cast %add3A_631 : i32 to index
        %swap3A_782 = arith.constant 32 : index
        %swap3A_783 = tpu.vector_load %arg10[%swap3A_781, %swap3A_782] {strides = array<i32>} : memref<80x128xf32, #tpu.memory_space<vmem>>, vector<1x16xf32>,
        %swap3A_784 = vector.shape_cast %swap3A_783 : vector<1x16xf32> to vector<16xf32>
        %swap3A_785 = vector.shape_cast %mul3A_780 : vector<16xf32> to vector<1x16xf32>
        tpu.vector_store %arg10[%swap3A_781, %swap3A_782], %swap3A_785 {strides = array<i32>} : memref<80x128xf32, #tpu.memory_space<vmem>>, vector<1x16xf32>,
        %get3A_786 = arith.index_cast %add3A_631 : i32 to index
        %get3A_787 = arith.constant 48 : index
        %get3A_788 = tpu.vector_load %arg10[%get3A_786, %get3A_787] {strides = array<i32>} : memref<80x128xf32, #tpu.memory_space<vmem>>, vector<1x16xf32>,
        %get3A_789 = vector.shape_cast %get3A_788 : vector<1x16xf32> to vector<16xf32>
        %get3A_790 = arith.index_cast %add3A_631 : i32 to index
        %get3A_791 = arith.constant 48 : index
        %get3A_792 = tpu.vector_load %arg12[%get3A_790, %get3A_791] {strides = array<i32>} : memref<80x128xf32, #tpu.memory_space<vmem>>, vector<1x16xf32>,
        %get3A_793 = vector.shape_cast %get3A_792 : vector<1x16xf32> to vector<16xf32>
        %mul3A_794 = arith.mulf %get3A_789, %get3A_793 : vector<16xf32>
        %swap3A_795 = arith.index_cast %add3A_631 : i32 to index
        %swap3A_796 = arith.constant 48 : index
        %swap3A_797 = tpu.vector_load %arg10[%swap3A_795, %swap3A_796] {strides = array<i32>} : memref<80x128xf32, #tpu.memory_space<vmem>>, vector<1x16xf32>,
        %swap3A_798 = vector.shape_cast %swap3A_797 : vector<1x16xf32> to vector<16xf32>
        %swap3A_799 = vector.shape_cast %mul3A_794 : vector<16xf32> to vector<1x16xf32>
        tpu.vector_store %arg10[%swap3A_795, %swap3A_796], %swap3A_799 {strides = array<i32>} : memref<80x128xf32, #tpu.memory_space<vmem>>, vector<1x16xf32>,
        %get3A_800 = arith.index_cast %add3A_631 : i32 to index
        %get3A_801 = arith.constant 64 : index
        %get3A_802 = tpu.vector_load %arg10[%get3A_800, %get3A_801] {strides = array<i32>} : memref<80x128xf32, #tpu.memory_space<vmem>>, vector<1x16xf32>,
        %get3A_803 = vector.shape_cast %get3A_802 : vector<1x16xf32> to vector<16xf32>
        %get3A_804 = arith.index_cast %add3A_631 : i32 to index
        %get3A_805 = arith.constant 64 : index
        %get3A_806 = tpu.vector_load %arg12[%get3A_804, %get3A_805] {strides = array<i32>} : memref<80x128xf32, #tpu.memory_space<vmem>>, vector<1x16xf32>,
        %get3A_807 = vector.shape_cast %get3A_806 : vector<1x16xf32> to vector<16xf32>
        %mul3A_808 = arith.mulf %get3A_803, %get3A_807 : vector<16xf32>
        %swap3A_809 = arith.index_cast %add3A_631 : i32 to index
        %swap3A_810 = arith.constant 64 : index
        %swap3A_811 = tpu.vector_load %arg10[%swap3A_809, %swap3A_810] {strides = array<i32>} : memref<80x128xf32, #tpu.memory_space<vmem>>, vector<1x16xf32>,
        %swap3A_812 = vector.shape_cast %swap3A_811 : vector<1x16xf32> to vector<16xf32>
        %swap3A_813 = vector.shape_cast %mul3A_808 : vector<16xf32> to vector<1x16xf32>
        tpu.vector_store %arg10[%swap3A_809, %swap3A_810], %swap3A_813 {strides = array<i32>} : memref<80x128xf32, #tpu.memory_space<vmem>>, vector<1x16xf32>,
        %get3A_814 = arith.index_cast %add3A_631 : i32 to index
        %get3A_815 = arith.constant 80 : index
        %get3A_816 = tpu.vector_load %arg10[%get3A_814, %get3A_815] {strides = array<i32>} : memref<80x128xf32, #tpu.memory_space<vmem>>, vector<1x16xf32>,
        %get3A_817 = vector.shape_cast %get3A_816 : vector<1x16xf32> to vector<16xf32>
        %get3A_818 = arith.index_cast %add3A_631 : i32 to index
        %get3A_819 = arith.constant 80 : index
        %get3A_820 = tpu.vector_load %arg12[%get3A_818, %get3A_819] {strides = array<i32>} : memref<80x128xf32, #tpu.memory_space<vmem>>, vector<1x16xf32>,
        %get3A_821 = vector.shape_cast %get3A_820 : vector<1x16xf32> to vector<16xf32>
        %mul3A_822 = arith.mulf %get3A_817, %get3A_821 : vector<16xf32>
        %swap3A_823 = arith.index_cast %add3A_631 : i32 to index
        %swap3A_824 = arith.constant 80 : index
        %swap3A_825 = tpu.vector_load %arg10[%swap3A_823, %swap3A_824] {strides = array<i32>} : memref<80x128xf32, #tpu.memory_space<vmem>>, vector<1x16xf32>,
        %swap3A_826 = vector.shape_cast %swap3A_825 : vector<1x16xf32> to vector<16xf32>
        %swap3A_827 = vector.shape_cast %mul3A_822 : vector<16xf32> to vector<1x16xf32>
        tpu.vector_store %arg10[%swap3A_823, %swap3A_824], %swap3A_827 {strides = array<i32>} : memref<80x128xf32, #tpu.memory_space<vmem>>, vector<1x16xf32>,
        %get3A_828 = arith.index_cast %add3A_631 : i32 to index
        %get3A_829 = arith.constant 96 : index
        %get3A_830 = tpu.vector_load %arg10[%get3A_828, %get3A_829] {strides = array<i32>} : memref<80x128xf32, #tpu.memory_space<vmem>>, vector<1x16xf32>,
        %get3A_831 = vector.shape_cast %get3A_830 : vector<1x16xf32> to vector<16xf32>
        %get3A_832 = arith.index_cast %add3A_631 : i32 to index
        %get3A_833 = arith.constant 96 : index
        %get3A_834 = tpu.vector_load %arg12[%get3A_832, %get3A_833] {strides = array<i32>} : memref<80x128xf32, #tpu.memory_space<vmem>>, vector<1x16xf32>,
        %get3A_835 = vector.shape_cast %get3A_834 : vector<1x16xf32> to vector<16xf32>
        %mul3A_836 = arith.mulf %get3A_831, %get3A_835 : vector<16xf32>
        %swap3A_837 = arith.index_cast %add3A_631 : i32 to index
        %swap3A_838 = arith.constant 96 : index
        %swap3A_839 = tpu.vector_load %arg10[%swap3A_837, %swap3A_838] {strides = array<i32>} : memref<80x128xf32, #tpu.memory_space<vmem>>, vector<1x16xf32>,
        %swap3A_840 = vector.shape_cast %swap3A_839 : vector<1x16xf32> to vector<16xf32>
        %swap3A_841 = vector.shape_cast %mul3A_836 : vector<16xf32> to vector<1x16xf32>
        tpu.vector_store %arg10[%swap3A_837, %swap3A_838], %swap3A_841 {strides = array<i32>} : memref<80x128xf32, #tpu.memory_space<vmem>>, vector<1x16xf32>,
        %get3A_842 = arith.index_cast %add3A_631 : i32 to index
        %get3A_843 = arith.constant 112 : index
        %get3A_844 = tpu.vector_load %arg10[%get3A_842, %get3A_843] {strides = array<i32>} : memref<80x128xf32, #tpu.memory_space<vmem>>, vector<1x16xf32>,
        %get3A_845 = vector.shape_cast %get3A_844 : vector<1x16xf32> to vector<16xf32>
        %get3A_846 = arith.index_cast %add3A_631 : i32 to index
        %get3A_847 = arith.constant 112 : index
        %get3A_848 = tpu.vector_load %arg12[%get3A_846, %get3A_847] {strides = array<i32>} : memref<80x128xf32, #tpu.memory_space<vmem>>, vector<1x16xf32>,
        %get3A_849 = vector.shape_cast %get3A_848 : vector<1x16xf32> to vector<16xf32>
        %mul3A_850 = arith.mulf %get3A_845, %get3A_849 : vector<16xf32>
        %swap3A_851 = arith.index_cast %add3A_631 : i32 to index
        %swap3A_852 = arith.constant 112 : index
        %swap3A_853 = tpu.vector_load %arg10[%swap3A_851, %swap3A_852] {strides = array<i32>} : memref<80x128xf32, #tpu.memory_space<vmem>>, vector<1x16xf32>,
        %swap3A_854 = vector.shape_cast %swap3A_853 : vector<1x16xf32> to vector<16xf32>
        %swap3A_855 = vector.shape_cast %mul3A_850 : vector<16xf32> to vector<1x16xf32>
        tpu.vector_store %arg10[%swap3A_851, %swap3A_852], %swap3A_855 {strides = array<i32>} : memref<80x128xf32, #tpu.memory_space<vmem>>, vector<1x16xf32>,
      }
      %scan3A_477 = arith.constant 40 : i32
      %dma_start3A_478 = arith.constant 0 : i32
      %dma_start3A_479 = arith.constant 0 : i32
      %dma_start3A_480 = tpu.memref_slice %arg8[%dma_start3A_478, %dma_start3A_479] : memref<1x80xi32, #tpu.memory_space<vmem>> -> memref<1x80xi32, #tpu.memory_space<vmem>>
      %dma_start3A_481 = tpu.memref_squeeze %dma_start3A_480 : memref<1x80xi32, #tpu.memory_space<vmem>> -> memref<80xi32, #tpu.memory_space<vmem>>
      %dma_start3A_482 = arith.constant 0 : i32
      %dma_start3A_483 = arith.constant 0 : i32
      %dma_start3A_484 = tpu.memref_slice %arg14[%dma_start3A_482, %dma_start3A_483] : memref<10240x128xf32, #tpu.memory_space<vmem_shared>> -> memref<10240x128xf32, #tpu.memory_space<vmem_shared>>
      tpu.enqueue_indirect_dma source(%arg10 : memref<80x128xf32, #tpu.memory_space<vmem>>) target(%dma_start3A_484 : memref<10240x128xf32, #tpu.memory_space<vmem_shared>>) offsets(%dma_start3A_481 : memref<80xi32, #tpu.memory_space<vmem>>) semaphore(%arg19 : memref<!tpu.dma_semaphore, #tpu.memory_space<semaphore_mem>>) {add = true}
      %add3A_485 = arith.constant 2 : i32
      %add3A_486 = arith.addi %mul3A_363, %add3A_485 : i32
      %min3A = arith.constant 124 : i32
      %min3A_487 = arith.minsi %add3A_486, %min3A : i32
      %add3A_488 = arith.addi %mul3A_2, %min3A_487 : i32
      %dma_start3A_489 = arith.constant 0 : i32
      %dma_start3A_490 = arith.constant 0 : i32
      %dma_start3A_491 = tpu.memref_slice %arg4[%add3A_488, %dma_start3A_489, %dma_start3A_490] : memref<4000x2x80xi32, #tpu.memory_space<hbm>> -> memref<1x2x80xi32, #tpu.memory_space<hbm>>
      %dma_start3A_492 = tpu.memref_squeeze %dma_start3A_491 : memref<1x2x80xi32, #tpu.memory_space<hbm>> -> memref<2x80xi32, #tpu.memory_space<hbm>>
      %dma_start3A_493 = arith.constant 0 : i32
      %dma_start3A_494 = arith.constant 0 : i32
      %dma_start3A_495 = tpu.memref_slice %arg4[%add3A_488, %dma_start3A_493, %dma_start3A_494] : memref<4000x2x80xi32, #tpu.memory_space<hbm>> -> memref<1x2x80xi32, #tpu.memory_space<hbm>>
      %dma_start3A_496 = tpu.memref_squeeze %dma_start3A_495 : memref<1x2x80xi32, #tpu.memory_space<hbm>> -> memref<2x80xi32, #tpu.memory_space<hbm>>
      tpu.enqueue_dma source(%dma_start3A_496 : memref<2x80xi32, #tpu.memory_space<hbm>>) target(%arg6 : memref<2x80xi32, #tpu.memory_space<vmem>>) target_semaphore(%arg17 : memref<!tpu.dma_semaphore, #tpu.memory_space<semaphore_mem>>)
      %dma_wait3A_497 = arith.constant 0 : i32
      %dma_wait3A_498 = arith.constant 0 : i32
      %dma_wait3A_499 = arith.constant 0 : i32
      %dma_wait3A_500 = tpu.memref_slice %arg4[%dma_wait3A_497, %dma_wait3A_498, %dma_wait3A_499] : memref<4000x2x80xi32, #tpu.memory_space<hbm>> -> memref<1x2x80xi32, #tpu.memory_space<hbm>>
      %dma_wait3A_501 = tpu.memref_squeeze %dma_wait3A_500 : memref<1x2x80xi32, #tpu.memory_space<hbm>> -> memref<2x80xi32, #tpu.memory_space<hbm>>
      %dma_wait3A_502 = arith.constant 0 : i32
      %dma_wait3A_503 = arith.constant 0 : i32
      %dma_wait3A_504 = tpu.memref_slice %arg4[%dma_wait3A_497, %dma_wait3A_502, %dma_wait3A_503] : memref<4000x2x80xi32, #tpu.memory_space<hbm>> -> memref<1x2x80xi32, #tpu.memory_space<hbm>>
      %dma_wait3A_505 = tpu.memref_squeeze %dma_wait3A_504 : memref<1x2x80xi32, #tpu.memory_space<hbm>> -> memref<2x80xi32, #tpu.memory_space<hbm>>
      tpu.wait_dma2 semaphore(%arg17 : memref<!tpu.dma_semaphore, #tpu.memory_space<semaphore_mem>>) src(%dma_wait3A_505 : memref<2x80xi32, #tpu.memory_space<hbm>>) dst(%arg6 : memref<2x80xi32, #tpu.memory_space<vmem>>)
      %dma_wait3A_506 = arith.constant 0 : i32
      %dma_wait3A_507 = arith.constant 0 : i32
      %dma_wait3A_508 = tpu.memref_slice %arg8[%dma_wait3A_506, %dma_wait3A_507] : memref<1x80xi32, #tpu.memory_space<vmem>> -> memref<1x80xi32, #tpu.memory_space<vmem>>
      %dma_wait3A_509 = tpu.memref_squeeze %dma_wait3A_508 : memref<1x80xi32, #tpu.memory_space<vmem>> -> memref<80xi32, #tpu.memory_space<vmem>>
      %dma_wait3A_510 = arith.constant 0 : i32
      %dma_wait3A_511 = arith.constant 0 : i32
      %dma_wait3A_512 = tpu.memref_slice %arg14[%dma_wait3A_510, %dma_wait3A_511] : memref<10240x128xf32, #tpu.memory_space<vmem_shared>> -> memref<10240x128xf32, #tpu.memory_space<vmem_shared>>
      tpu.wait_indirect_dma semaphore(%arg19 : memref<!tpu.dma_semaphore, #tpu.memory_space<semaphore_mem>>) src(%arg10 : memref<80x128xf32, #tpu.memory_space<vmem>>) dst(%dma_wait3A_512 : memref<10240x128xf32, #tpu.memory_space<vmem_shared>>)
      %add3A_513 = arith.constant 1 : i32
      %add3A_514 = arith.addi %add3A_367, %add3A_513 : i32
      %add3A_515 = arith.addi %mul3A_2, %add3A_514 : i32
      %dma_start3A_516 = arith.constant 1 : i32
      %dma_start3A_517 = arith.constant 0 : i32
      %dma_start3A_518 = tpu.memref_slice %arg6[%dma_start3A_516, %dma_start3A_517] : memref<2x80xi32, #tpu.memory_space<vmem>> -> memref<1x80xi32, #tpu.memory_space<vmem>>
      %dma_start3A_519 = tpu.memref_squeeze %dma_start3A_518 : memref<1x80xi32, #tpu.memory_space<vmem>> -> memref<80xi32, #tpu.memory_space<vmem>>
      %dma_start3A_520 = arith.constant 0 : i32
      %dma_start3A_521 = arith.constant 0 : i32
      %dma_start3A_522 = tpu.memref_slice %arg2[%dma_start3A_520, %dma_start3A_521] : memref<10000x128xf32, #tpu.memory_space<hbm>> -> memref<10000x128xf32, #tpu.memory_space<hbm>>
      tpu.enqueue_indirect_dma source(%dma_start3A_522 : memref<10000x128xf32, #tpu.memory_space<hbm>>) target(%arg10 : memref<80x128xf32, #tpu.memory_space<vmem>>) offsets(%dma_start3A_519 : memref<80xi32, #tpu.memory_space<vmem>>) semaphore(%arg15 : memref<!tpu.dma_semaphore, #tpu.memory_space<semaphore_mem>>)
      %dma_start3A_523 = arith.constant 0 : i32
      %dma_start3A_524 = arith.constant 0 : i32
      %dma_start3A_525 = tpu.memref_slice %arg3[%add3A_515, %dma_start3A_523, %dma_start3A_524] : memref<4000x80x128xf32, #tpu.memory_space<hbm>> -> memref<1x80x128xf32, #tpu.memory_space<hbm>>
      %dma_start3A_526 = tpu.memref_squeeze %dma_start3A_525 : memref<1x80x128xf32, #tpu.memory_space<hbm>> -> memref<80x128xf32, #tpu.memory_space<hbm>>
      %dma_start3A_527 = arith.constant 0 : i32
      %dma_start3A_528 = arith.constant 0 : i32
      %dma_start3A_529 = tpu.memref_slice %arg3[%add3A_515, %dma_start3A_527, %dma_start3A_528] : memref<4000x80x128xf32, #tpu.memory_space<hbm>> -> memref<1x80x128xf32, #tpu.memory_space<hbm>>
      %dma_start3A_530 = tpu.memref_squeeze %dma_start3A_529 : memref<1x80x128xf32, #tpu.memory_space<hbm>> -> memref<80x128xf32, #tpu.memory_space<hbm>>
      tpu.enqueue_dma source(%dma_start3A_530 : memref<80x128xf32, #tpu.memory_space<hbm>>) target(%arg12 : memref<80x128xf32, #tpu.memory_space<vmem>>) target_semaphore(%arg15 : memref<!tpu.dma_semaphore, #tpu.memory_space<semaphore_mem>>)
      %dma_wait3A_531 = arith.constant 0 : i32
      %dma_wait3A_532 = arith.constant 0 : i32
      %dma_wait3A_533 = tpu.memref_slice %arg2[%dma_wait3A_531, %dma_wait3A_532] : memref<10000x128xf32, #tpu.memory_space<hbm>> -> memref<80x128xf32, #tpu.memory_space<hbm>>
      %dma_wait3A_534 = arith.constant 0 : i32
      %dma_wait3A_535 = arith.constant 0 : i32
      %dma_wait3A_536 = tpu.memref_slice %arg2[%dma_wait3A_534, %dma_wait3A_535] : memref<10000x128xf32, #tpu.memory_space<hbm>> -> memref<80x128xf32, #tpu.memory_space<hbm>>
      tpu.wait_dma2 semaphore(%arg16 : memref<!tpu.dma_semaphore, #tpu.memory_space<semaphore_mem>>) src(%dma_wait3A_536 : memref<80x128xf32, #tpu.memory_space<hbm>>) dst(%arg11 : memref<80x128xf32, #tpu.memory_space<vmem>>)
      %dma_wait3A_537 = arith.constant 0 : i32
      %dma_wait3A_538 = arith.constant 0 : i32
      %dma_wait3A_539 = arith.constant 0 : i32
      %dma_wait3A_540 = tpu.memref_slice %arg3[%dma_wait3A_537, %dma_wait3A_538, %dma_wait3A_539] : memref<4000x80x128xf32, #tpu.memory_space<hbm>> -> memref<1x80x128xf32, #tpu.memory_space<hbm>>
      %dma_wait3A_541 = tpu.memref_squeeze %dma_wait3A_540 : memref<1x80x128xf32, #tpu.memory_space<hbm>> -> memref<80x128xf32, #tpu.memory_space<hbm>>
      %dma_wait3A_542 = arith.constant 0 : i32
      %dma_wait3A_543 = arith.constant 0 : i32
      %dma_wait3A_544 = tpu.memref_slice %arg3[%dma_wait3A_537, %dma_wait3A_542, %dma_wait3A_543] : memref<4000x80x128xf32, #tpu.memory_space<hbm>> -> memref<1x80x128xf32, #tpu.memory_space<hbm>>
      %dma_wait3A_545 = tpu.memref_squeeze %dma_wait3A_544 : memref<1x80x128xf32, #tpu.memory_space<hbm>> -> memref<80x128xf32, #tpu.memory_space<hbm>>
      tpu.wait_dma2 semaphore(%arg16 : memref<!tpu.dma_semaphore, #tpu.memory_space<semaphore_mem>>) src(%dma_wait3A_545 : memref<80x128xf32, #tpu.memory_space<hbm>>) dst(%arg13 : memref<80x128xf32, #tpu.memory_space<vmem>>)
      %get3A_546 = arith.constant 0 : i32
      %get3A_547 = arith.index_cast %get3A_546 : i32 to index
      %get3A_548 = arith.constant 0 : index
      %get3A_549 = tpu.vector_load %arg7[%get3A_547, %get3A_548] {strides = array<i32>} : memref<2x80xi32, #tpu.memory_space<vmem>>, vector<1x16xi32>,
      %get3A_550 = vector.shape_cast %get3A_549 : vector<1x16xi32> to vector<16xi32>
      %swap3A_551 = arith.constant 0 : i32
      %swap3A_552 = arith.index_cast %swap3A_551 : i32 to index
      %swap3A_553 = arith.constant 0 : index
      %swap3A_554 = tpu.vector_load %arg9[%swap3A_552, %swap3A_553] {strides = array<i32>} : memref<1x80xi32, #tpu.memory_space<vmem>>, vector<1x16xi32>,
      %swap3A_555 = vector.shape_cast %swap3A_554 : vector<1x16xi32> to vector<16xi32>
      %swap3A_556 = vector.shape_cast %get3A_550 : vector<16xi32> to vector<1x16xi32>
      tpu.vector_store %arg9[%swap3A_552, %swap3A_553], %swap3A_556 {strides = array<i32>} : memref<1x80xi32, #tpu.memory_space<vmem>>, vector<1x16xi32>,
      %get3A_557 = arith.constant 0 : i32
      %get3A_558 = arith.index_cast %get3A_557 : i32 to index
      %get3A_559 = arith.constant 16 : index
      %get3A_560 = tpu.vector_load %arg7[%get3A_558, %get3A_559] {strides = array<i32>} : memref<2x80xi32, #tpu.memory_space<vmem>>, vector<1x16xi32>,
      %get3A_561 = vector.shape_cast %get3A_560 : vector<1x16xi32> to vector<16xi32>
      %swap3A_562 = arith.constant 0 : i32
      %swap3A_563 = arith.index_cast %swap3A_562 : i32 to index
      %swap3A_564 = arith.constant 16 : index
      %swap3A_565 = tpu.vector_load %arg9[%swap3A_563, %swap3A_564] {strides = array<i32>} : memref<1x80xi32, #tpu.memory_space<vmem>>, vector<1x16xi32>,
      %swap3A_566 = vector.shape_cast %swap3A_565 : vector<1x16xi32> to vector<16xi32>
      %swap3A_567 = vector.shape_cast %get3A_561 : vector<16xi32> to vector<1x16xi32>
      tpu.vector_store %arg9[%swap3A_563, %swap3A_564], %swap3A_567 {strides = array<i32>} : memref<1x80xi32, #tpu.memory_space<vmem>>, vector<1x16xi32>,
      %get3A_568 = arith.constant 0 : i32
      %get3A_569 = arith.index_cast %get3A_568 : i32 to index
      %get3A_570 = arith.constant 32 : index
      %get3A_571 = tpu.vector_load %arg7[%get3A_569, %get3A_570] {strides = array<i32>} : memref<2x80xi32, #tpu.memory_space<vmem>>, vector<1x16xi32>,
      %get3A_572 = vector.shape_cast %get3A_571 : vector<1x16xi32> to vector<16xi32>
      %swap3A_573 = arith.constant 0 : i32
      %swap3A_574 = arith.index_cast %swap3A_573 : i32 to index
      %swap3A_575 = arith.constant 32 : index
      %swap3A_576 = tpu.vector_load %arg9[%swap3A_574, %swap3A_575] {strides = array<i32>} : memref<1x80xi32, #tpu.memory_space<vmem>>, vector<1x16xi32>,
      %swap3A_577 = vector.shape_cast %swap3A_576 : vector<1x16xi32> to vector<16xi32>
      %swap3A_578 = vector.shape_cast %get3A_572 : vector<16xi32> to vector<1x16xi32>
      tpu.vector_store %arg9[%swap3A_574, %swap3A_575], %swap3A_578 {strides = array<i32>} : memref<1x80xi32, #tpu.memory_space<vmem>>, vector<1x16xi32>,
      %get3A_579 = arith.constant 0 : i32
      %get3A_580 = arith.index_cast %get3A_579 : i32 to index
      %get3A_581 = arith.constant 48 : index
      %get3A_582 = tpu.vector_load %arg7[%get3A_580, %get3A_581] {strides = array<i32>} : memref<2x80xi32, #tpu.memory_space<vmem>>, vector<1x16xi32>,
      %get3A_583 = vector.shape_cast %get3A_582 : vector<1x16xi32> to vector<16xi32>
      %swap3A_584 = arith.constant 0 : i32
      %swap3A_585 = arith.index_cast %swap3A_584 : i32 to index
      %swap3A_586 = arith.constant 48 : index
      %swap3A_587 = tpu.vector_load %arg9[%swap3A_585, %swap3A_586] {strides = array<i32>} : memref<1x80xi32, #tpu.memory_space<vmem>>, vector<1x16xi32>,
      %swap3A_588 = vector.shape_cast %swap3A_587 : vector<1x16xi32> to vector<16xi32>
      %swap3A_589 = vector.shape_cast %get3A_583 : vector<16xi32> to vector<1x16xi32>
      tpu.vector_store %arg9[%swap3A_585, %swap3A_586], %swap3A_589 {strides = array<i32>} : memref<1x80xi32, #tpu.memory_space<vmem>>, vector<1x16xi32>,
      %get3A_590 = arith.constant 0 : i32
      %get3A_591 = arith.index_cast %get3A_590 : i32 to index
      %get3A_592 = arith.constant 64 : index
      %get3A_593 = tpu.vector_load %arg7[%get3A_591, %get3A_592] {strides = array<i32>} : memref<2x80xi32, #tpu.memory_space<vmem>>, vector<1x16xi32>,
      %get3A_594 = vector.shape_cast %get3A_593 : vector<1x16xi32> to vector<16xi32>
      %swap3A_595 = arith.constant 0 : i32
      %swap3A_596 = arith.index_cast %swap3A_595 : i32 to index
      %swap3A_597 = arith.constant 64 : index
      %swap3A_598 = tpu.vector_load %arg9[%swap3A_596, %swap3A_597] {strides = array<i32>} : memref<1x80xi32, #tpu.memory_space<vmem>>, vector<1x16xi32>,
      %swap3A_599 = vector.shape_cast %swap3A_598 : vector<1x16xi32> to vector<16xi32>
      %swap3A_600 = vector.shape_cast %get3A_594 : vector<16xi32> to vector<1x16xi32>
      tpu.vector_store %arg9[%swap3A_596, %swap3A_597], %swap3A_600 {strides = array<i32>} : memref<1x80xi32, #tpu.memory_space<vmem>>, vector<1x16xi32>,
      %scan3A_601 = arith.constant 0 : i32
      %scan3A_602 = arith.constant 0 : i32
      %scan3A_603 = arith.constant 40 : i32
      %scan3A_604 = arith.addi %scan3A_602, %scan3A_603 : i32
      %scan3A_605 = arith.constant 1 : i32
      scf.for %scan3A_627 = %scan3A_602 to %scan3A_604 step %scan3A_605  : i32 {
        %mul3A_628 = arith.constant 2 : i32
        %mul3A_629 = arith.muli %mul3A_628, %scan3A_627 : i32
        %multiple_of3A = tpu.assume_multiple %mul3A_629, 2 : i32
        %add3A_630 = arith.constant 1 : i32
        %add3A_631 = arith.addi %multiple_of3A, %add3A_630 : i32
        %get3A_632 = arith.index_cast %multiple_of3A : i32 to index
        %get3A_633 = arith.constant 0 : index
        %get3A_634 = tpu.vector_load %arg11[%get3A_632, %get3A_633] {strides = array<i32>} : memref<80x128xf32, #tpu.memory_space<vmem>>, vector<1x16xf32>,
        %get3A_635 = vector.shape_cast %get3A_634 : vector<1x16xf32> to vector<16xf32>
        %get3A_636 = arith.index_cast %multiple_of3A : i32 to index
        %get3A_637 = arith.constant 0 : index
        %get3A_638 = tpu.vector_load %arg13[%get3A_636, %get3A_637] {strides = array<i32>} : memref<80x128xf32, #tpu.memory_space<vmem>>, vector<1x16xf32>,
        %get3A_639 = vector.shape_cast %get3A_638 : vector<1x16xf32> to vector<16xf32>
        %mul3A_640 = arith.mulf %get3A_635, %get3A_639 : vector<16xf32>
        %swap3A_641 = arith.index_cast %multiple_of3A : i32 to index
        %swap3A_642 = arith.constant 0 : index
        %swap3A_643 = tpu.vector_load %arg11[%swap3A_641, %swap3A_642] {strides = array<i32>} : memref<80x128xf32, #tpu.memory_space<vmem>>, vector<1x16xf32>,
        %swap3A_644 = vector.shape_cast %swap3A_643 : vector<1x16xf32> to vector<16xf32>
        %swap3A_645 = vector.shape_cast %mul3A_640 : vector<16xf32> to vector<1x16xf32>
        tpu.vector_store %arg11[%swap3A_641, %swap3A_642], %swap3A_645 {strides = array<i32>} : memref<80x128xf32, #tpu.memory_space<vmem>>, vector<1x16xf32>,
        %get3A_646 = arith.index_cast %multiple_of3A : i32 to index
        %get3A_647 = arith.constant 16 : index
        %get3A_648 = tpu.vector_load %arg11[%get3A_646, %get3A_647] {strides = array<i32>} : memref<80x128xf32, #tpu.memory_space<vmem>>, vector<1x16xf32>,
        %get3A_649 = vector.shape_cast %get3A_648 : vector<1x16xf32> to vector<16xf32>
        %get3A_650 = arith.index_cast %multiple_of3A : i32 to index
        %get3A_651 = arith.constant 16 : index
        %get3A_652 = tpu.vector_load %arg13[%get3A_650, %get3A_651] {strides = array<i32>} : memref<80x128xf32, #tpu.memory_space<vmem>>, vector<1x16xf32>,
        %get3A_653 = vector.shape_cast %get3A_652 : vector<1x16xf32> to vector<16xf32>
        %mul3A_654 = arith.mulf %get3A_649, %get3A_653 : vector<16xf32>
        %swap3A_655 = arith.index_cast %multiple_of3A : i32 to index
        %swap3A_656 = arith.constant 16 : index
        %swap3A_657 = tpu.vector_load %arg11[%swap3A_655, %swap3A_656] {strides = array<i32>} : memref<80x128xf32, #tpu.memory_space<vmem>>, vector<1x16xf32>,
        %swap3A_658 = vector.shape_cast %swap3A_657 : vector<1x16xf32> to vector<16xf32>
        %swap3A_659 = vector.shape_cast %mul3A_654 : vector<16xf32> to vector<1x16xf32>
        tpu.vector_store %arg11[%swap3A_655, %swap3A_656], %swap3A_659 {strides = array<i32>} : memref<80x128xf32, #tpu.memory_space<vmem>>, vector<1x16xf32>,
        %get3A_660 = arith.index_cast %multiple_of3A : i32 to index
        %get3A_661 = arith.constant 32 : index
        %get3A_662 = tpu.vector_load %arg11[%get3A_660, %get3A_661] {strides = array<i32>} : memref<80x128xf32, #tpu.memory_space<vmem>>, vector<1x16xf32>,
        %get3A_663 = vector.shape_cast %get3A_662 : vector<1x16xf32> to vector<16xf32>
        %get3A_664 = arith.index_cast %multiple_of3A : i32 to index
        %get3A_665 = arith.constant 32 : index
        %get3A_666 = tpu.vector_load %arg13[%get3A_664, %get3A_665] {strides = array<i32>} : memref<80x128xf32, #tpu.memory_space<vmem>>, vector<1x16xf32>,
        %get3A_667 = vector.shape_cast %get3A_666 : vector<1x16xf32> to vector<16xf32>
        %mul3A_668 = arith.mulf %get3A_663, %get3A_667 : vector<16xf32>
        %swap3A_669 = arith.index_cast %multiple_of3A : i32 to index
        %swap3A_670 = arith.constant 32 : index
        %swap3A_671 = tpu.vector_load %arg11[%swap3A_669, %swap3A_670] {strides = array<i32>} : memref<80x128xf32, #tpu.memory_space<vmem>>, vector<1x16xf32>,
        %swap3A_672 = vector.shape_cast %swap3A_671 : vector<1x16xf32> to vector<16xf32>
        %swap3A_673 = vector.shape_cast %mul3A_668 : vector<16xf32> to vector<1x16xf32>
        tpu.vector_store %arg11[%swap3A_669, %swap3A_670], %swap3A_673 {strides = array<i32>} : memref<80x128xf32, #tpu.memory_space<vmem>>, vector<1x16xf32>,
        %get3A_674 = arith.index_cast %multiple_of3A : i32 to index
        %get3A_675 = arith.constant 48 : index
        %get3A_676 = tpu.vector_load %arg11[%get3A_674, %get3A_675] {strides = array<i32>} : memref<80x128xf32, #tpu.memory_space<vmem>>, vector<1x16xf32>,
        %get3A_677 = vector.shape_cast %get3A_676 : vector<1x16xf32> to vector<16xf32>
        %get3A_678 = arith.index_cast %multiple_of3A : i32 to index
        %get3A_679 = arith.constant 48 : index
        %get3A_680 = tpu.vector_load %arg13[%get3A_678, %get3A_679] {strides = array<i32>} : memref<80x128xf32, #tpu.memory_space<vmem>>, vector<1x16xf32>,
        %get3A_681 = vector.shape_cast %get3A_680 : vector<1x16xf32> to vector<16xf32>
        %mul3A_682 = arith.mulf %get3A_677, %get3A_681 : vector<16xf32>
        %swap3A_683 = arith.index_cast %multiple_of3A : i32 to index
        %swap3A_684 = arith.constant 48 : index
        %swap3A_685 = tpu.vector_load %arg11[%swap3A_683, %swap3A_684] {strides = array<i32>} : memref<80x128xf32, #tpu.memory_space<vmem>>, vector<1x16xf32>,
        %swap3A_686 = vector.shape_cast %swap3A_685 : vector<1x16xf32> to vector<16xf32>
        %swap3A_687 = vector.shape_cast %mul3A_682 : vector<16xf32> to vector<1x16xf32>
        tpu.vector_store %arg11[%swap3A_683, %swap3A_684], %swap3A_687 {strides = array<i32>} : memref<80x128xf32, #tpu.memory_space<vmem>>, vector<1x16xf32>,
        %get3A_688 = arith.index_cast %multiple_of3A : i32 to index
        %get3A_689 = arith.constant 64 : index
        %get3A_690 = tpu.vector_load %arg11[%get3A_688, %get3A_689] {strides = array<i32>} : memref<80x128xf32, #tpu.memory_space<vmem>>, vector<1x16xf32>,
        %get3A_691 = vector.shape_cast %get3A_690 : vector<1x16xf32> to vector<16xf32>
        %get3A_692 = arith.index_cast %multiple_of3A : i32 to index
        %get3A_693 = arith.constant 64 : index
        %get3A_694 = tpu.vector_load %arg13[%get3A_692, %get3A_693] {strides = array<i32>} : memref<80x128xf32, #tpu.memory_space<vmem>>, vector<1x16xf32>,
        %get3A_695 = vector.shape_cast %get3A_694 : vector<1x16xf32> to vector<16xf32>
        %mul3A_696 = arith.mulf %get3A_691, %get3A_695 : vector<16xf32>
        %swap3A_697 = arith.index_cast %multiple_of3A : i32 to index
        %swap3A_698 = arith.constant 64 : index
        %swap3A_699 = tpu.vector_load %arg11[%swap3A_697, %swap3A_698] {strides = array<i32>} : memref<80x128xf32, #tpu.memory_space<vmem>>, vector<1x16xf32>,
        %swap3A_700 = vector.shape_cast %swap3A_699 : vector<1x16xf32> to vector<16xf32>
        %swap3A_701 = vector.shape_cast %mul3A_696 : vector<16xf32> to vector<1x16xf32>
        tpu.vector_store %arg11[%swap3A_697, %swap3A_698], %swap3A_701 {strides = array<i32>} : memref<80x128xf32, #tpu.memory_space<vmem>>, vector<1x16xf32>,
        %get3A_702 = arith.index_cast %multiple_of3A : i32 to index
        %get3A_703 = arith.constant 80 : index
        %get3A_704 = tpu.vector_load %arg11[%get3A_702, %get3A_703] {strides = array<i32>} : memref<80x128xf32, #tpu.memory_space<vmem>>, vector<1x16xf32>,
        %get3A_705 = vector.shape_cast %get3A_704 : vector<1x16xf32> to vector<16xf32>
        %get3A_706 = arith.index_cast %multiple_of3A : i32 to index
        %get3A_707 = arith.constant 80 : index
        %get3A_708 = tpu.vector_load %arg13[%get3A_706, %get3A_707] {strides = array<i32>} : memref<80x128xf32, #tpu.memory_space<vmem>>, vector<1x16xf32>,
        %get3A_709 = vector.shape_cast %get3A_708 : vector<1x16xf32> to vector<16xf32>
        %mul3A_710 = arith.mulf %get3A_705, %get3A_709 : vector<16xf32>
        %swap3A_711 = arith.index_cast %multiple_of3A : i32 to index
        %swap3A_712 = arith.constant 80 : index
        %swap3A_713 = tpu.vector_load %arg11[%swap3A_711, %swap3A_712] {strides = array<i32>} : memref<80x128xf32, #tpu.memory_space<vmem>>, vector<1x16xf32>,
        %swap3A_714 = vector.shape_cast %swap3A_713 : vector<1x16xf32> to vector<16xf32>
        %swap3A_715 = vector.shape_cast %mul3A_710 : vector<16xf32> to vector<1x16xf32>
        tpu.vector_store %arg11[%swap3A_711, %swap3A_712], %swap3A_715 {strides = array<i32>} : memref<80x128xf32, #tpu.memory_space<vmem>>, vector<1x16xf32>,
        %get3A_716 = arith.index_cast %multiple_of3A : i32 to index
        %get3A_717 = arith.constant 96 : index
        %get3A_718 = tpu.vector_load %arg11[%get3A_716, %get3A_717] {strides = array<i32>} : memref<80x128xf32, #tpu.memory_space<vmem>>, vector<1x16xf32>,
        %get3A_719 = vector.shape_cast %get3A_718 : vector<1x16xf32> to vector<16xf32>
        %get3A_720 = arith.index_cast %multiple_of3A : i32 to index
        %get3A_721 = arith.constant 96 : index
        %get3A_722 = tpu.vector_load %arg13[%get3A_720, %get3A_721] {strides = array<i32>} : memref<80x128xf32, #tpu.memory_space<vmem>>, vector<1x16xf32>,
        %get3A_723 = vector.shape_cast %get3A_722 : vector<1x16xf32> to vector<16xf32>
        %mul3A_724 = arith.mulf %get3A_719, %get3A_723 : vector<16xf32>
        %swap3A_725 = arith.index_cast %multiple_of3A : i32 to index
        %swap3A_726 = arith.constant 96 : index
        %swap3A_727 = tpu.vector_load %arg11[%swap3A_725, %swap3A_726] {strides = array<i32>} : memref<80x128xf32, #tpu.memory_space<vmem>>, vector<1x16xf32>,
        %swap3A_728 = vector.shape_cast %swap3A_727 : vector<1x16xf32> to vector<16xf32>
        %swap3A_729 = vector.shape_cast %mul3A_724 : vector<16xf32> to vector<1x16xf32>
        tpu.vector_store %arg11[%swap3A_725, %swap3A_726], %swap3A_729 {strides = array<i32>} : memref<80x128xf32, #tpu.memory_space<vmem>>, vector<1x16xf32>,
        %get3A_730 = arith.index_cast %multiple_of3A : i32 to index
        %get3A_731 = arith.constant 112 : index
        %get3A_732 = tpu.vector_load %arg11[%get3A_730, %get3A_731] {strides = array<i32>} : memref<80x128xf32, #tpu.memory_space<vmem>>, vector<1x16xf32>,
        %get3A_733 = vector.shape_cast %get3A_732 : vector<1x16xf32> to vector<16xf32>
        %get3A_734 = arith.index_cast %multiple_of3A : i32 to index
        %get3A_735 = arith.constant 112 : index
        %get3A_736 = tpu.vector_load %arg13[%get3A_734, %get3A_735] {strides = array<i32>} : memref<80x128xf32, #tpu.memory_space<vmem>>, vector<1x16xf32>,
        %get3A_737 = vector.shape_cast %get3A_736 : vector<1x16xf32> to vector<16xf32>
        %mul3A_738 = arith.mulf %get3A_733, %get3A_737 : vector<16xf32>
        %swap3A_739 = arith.index_cast %multiple_of3A : i32 to index
        %swap3A_740 = arith.constant 112 : index
        %swap3A_741 = tpu.vector_load %arg11[%swap3A_739, %swap3A_740] {strides = array<i32>} : memref<80x128xf32, #tpu.memory_space<vmem>>, vector<1x16xf32>,
        %swap3A_742 = vector.shape_cast %swap3A_741 : vector<1x16xf32> to vector<16xf32>
        %swap3A_743 = vector.shape_cast %mul3A_738 : vector<16xf32> to vector<1x16xf32>
        tpu.vector_store %arg11[%swap3A_739, %swap3A_740], %swap3A_743 {strides = array<i32>} : memref<80x128xf32, #tpu.memory_space<vmem>>, vector<1x16xf32>,
        %get3A_744 = arith.index_cast %add3A_631 : i32 to index
        %get3A_745 = arith.constant 0 : index
        %get3A_746 = tpu.vector_load %arg11[%get3A_744, %get3A_745] {strides = array<i32>} : memref<80x128xf32, #tpu.memory_space<vmem>>, vector<1x16xf32>,
        %get3A_747 = vector.shape_cast %get3A_746 : vector<1x16xf32> to vector<16xf32>
        %get3A_748 = arith.index_cast %add3A_631 : i32 to index
        %get3A_749 = arith.constant 0 : index
        %get3A_750 = tpu.vector_load %arg13[%get3A_748, %get3A_749] {strides = array<i32>} : memref<80x128xf32, #tpu.memory_space<vmem>>, vector<1x16xf32>,
        %get3A_751 = vector.shape_cast %get3A_750 : vector<1x16xf32> to vector<16xf32>
        %mul3A_752 = arith.mulf %get3A_747, %get3A_751 : vector<16xf32>
        %swap3A_753 = arith.index_cast %add3A_631 : i32 to index
        %swap3A_754 = arith.constant 0 : index
        %swap3A_755 = tpu.vector_load %arg11[%swap3A_753, %swap3A_754] {strides = array<i32>} : memref<80x128xf32, #tpu.memory_space<vmem>>, vector<1x16xf32>,
        %swap3A_756 = vector.shape_cast %swap3A_755 : vector<1x16xf32> to vector<16xf32>
        %swap3A_757 = vector.shape_cast %mul3A_752 : vector<16xf32> to vector<1x16xf32>
        tpu.vector_store %arg11[%swap3A_753, %swap3A_754], %swap3A_757 {strides = array<i32>} : memref<80x128xf32, #tpu.memory_space<vmem>>, vector<1x16xf32>,
        %get3A_758 = arith.index_cast %add3A_631 : i32 to index
        %get3A_759 = arith.constant 16 : index
        %get3A_760 = tpu.vector_load %arg11[%get3A_758, %get3A_759] {strides = array<i32>} : memref<80x128xf32, #tpu.memory_space<vmem>>, vector<1x16xf32>,
        %get3A_761 = vector.shape_cast %get3A_760 : vector<1x16xf32> to vector<16xf32>
        %get3A_762 = arith.index_cast %add3A_631 : i32 to index
        %get3A_763 = arith.constant 16 : index
        %get3A_764 = tpu.vector_load %arg13[%get3A_762, %get3A_763] {strides = array<i32>} : memref<80x128xf32, #tpu.memory_space<vmem>>, vector<1x16xf32>,
        %get3A_765 = vector.shape_cast %get3A_764 : vector<1x16xf32> to vector<16xf32>
        %mul3A_766 = arith.mulf %get3A_761, %get3A_765 : vector<16xf32>
        %swap3A_767 = arith.index_cast %add3A_631 : i32 to index
        %swap3A_768 = arith.constant 16 : index
        %swap3A_769 = tpu.vector_load %arg11[%swap3A_767, %swap3A_768] {strides = array<i32>} : memref<80x128xf32, #tpu.memory_space<vmem>>, vector<1x16xf32>,
        %swap3A_770 = vector.shape_cast %swap3A_769 : vector<1x16xf32> to vector<16xf32>
        %swap3A_771 = vector.shape_cast %mul3A_766 : vector<16xf32> to vector<1x16xf32>
        tpu.vector_store %arg11[%swap3A_767, %swap3A_768], %swap3A_771 {strides = array<i32>} : memref<80x128xf32, #tpu.memory_space<vmem>>, vector<1x16xf32>,
        %get3A_772 = arith.index_cast %add3A_631 : i32 to index
        %get3A_773 = arith.constant 32 : index
        %get3A_774 = tpu.vector_load %arg11[%get3A_772, %get3A_773] {strides = array<i32>} : memref<80x128xf32, #tpu.memory_space<vmem>>, vector<1x16xf32>,
        %get3A_775 = vector.shape_cast %get3A_774 : vector<1x16xf32> to vector<16xf32>
        %get3A_776 = arith.index_cast %add3A_631 : i32 to index
        %get3A_777 = arith.constant 32 : index
        %get3A_778 = tpu.vector_load %arg13[%get3A_776, %get3A_777] {strides = array<i32>} : memref<80x128xf32, #tpu.memory_space<vmem>>, vector<1x16xf32>,
        %get3A_779 = vector.shape_cast %get3A_778 : vector<1x16xf32> to vector<16xf32>
        %mul3A_780 = arith.mulf %get3A_775, %get3A_779 : vector<16xf32>
        %swap3A_781 = arith.index_cast %add3A_631 : i32 to index
        %swap3A_782 = arith.constant 32 : index
        %swap3A_783 = tpu.vector_load %arg11[%swap3A_781, %swap3A_782] {strides = array<i32>} : memref<80x128xf32, #tpu.memory_space<vmem>>, vector<1x16xf32>,
        %swap3A_784 = vector.shape_cast %swap3A_783 : vector<1x16xf32> to vector<16xf32>
        %swap3A_785 = vector.shape_cast %mul3A_780 : vector<16xf32> to vector<1x16xf32>
        tpu.vector_store %arg11[%swap3A_781, %swap3A_782], %swap3A_785 {strides = array<i32>} : memref<80x128xf32, #tpu.memory_space<vmem>>, vector<1x16xf32>,
        %get3A_786 = arith.index_cast %add3A_631 : i32 to index
        %get3A_787 = arith.constant 48 : index
        %get3A_788 = tpu.vector_load %arg11[%get3A_786, %get3A_787] {strides = array<i32>} : memref<80x128xf32, #tpu.memory_space<vmem>>, vector<1x16xf32>,
        %get3A_789 = vector.shape_cast %get3A_788 : vector<1x16xf32> to vector<16xf32>
        %get3A_790 = arith.index_cast %add3A_631 : i32 to index
        %get3A_791 = arith.constant 48 : index
        %get3A_792 = tpu.vector_load %arg13[%get3A_790, %get3A_791] {strides = array<i32>} : memref<80x128xf32, #tpu.memory_space<vmem>>, vector<1x16xf32>,
        %get3A_793 = vector.shape_cast %get3A_792 : vector<1x16xf32> to vector<16xf32>
        %mul3A_794 = arith.mulf %get3A_789, %get3A_793 : vector<16xf32>
        %swap3A_795 = arith.index_cast %add3A_631 : i32 to index
        %swap3A_796 = arith.constant 48 : index
        %swap3A_797 = tpu.vector_load %arg11[%swap3A_795, %swap3A_796] {strides = array<i32>} : memref<80x128xf32, #tpu.memory_space<vmem>>, vector<1x16xf32>,
        %swap3A_798 = vector.shape_cast %swap3A_797 : vector<1x16xf32> to vector<16xf32>
        %swap3A_799 = vector.shape_cast %mul3A_794 : vector<16xf32> to vector<1x16xf32>
        tpu.vector_store %arg11[%swap3A_795, %swap3A_796], %swap3A_799 {strides = array<i32>} : memref<80x128xf32, #tpu.memory_space<vmem>>, vector<1x16xf32>,
        %get3A_800 = arith.index_cast %add3A_631 : i32 to index
        %get3A_801 = arith.constant 64 : index
        %get3A_802 = tpu.vector_load %arg11[%get3A_800, %get3A_801] {strides = array<i32>} : memref<80x128xf32, #tpu.memory_space<vmem>>, vector<1x16xf32>,
        %get3A_803 = vector.shape_cast %get3A_802 : vector<1x16xf32> to vector<16xf32>
        %get3A_804 = arith.index_cast %add3A_631 : i32 to index
        %get3A_805 = arith.constant 64 : index
        %get3A_806 = tpu.vector_load %arg13[%get3A_804, %get3A_805] {strides = array<i32>} : memref<80x128xf32, #tpu.memory_space<vmem>>, vector<1x16xf32>,
        %get3A_807 = vector.shape_cast %get3A_806 : vector<1x16xf32> to vector<16xf32>
        %mul3A_808 = arith.mulf %get3A_803, %get3A_807 : vector<16xf32>
        %swap3A_809 = arith.index_cast %add3A_631 : i32 to index
        %swap3A_810 = arith.constant 64 : index
        %swap3A_811 = tpu.vector_load %arg11[%swap3A_809, %swap3A_810] {strides = array<i32>} : memref<80x128xf32, #tpu.memory_space<vmem>>, vector<1x16xf32>,
        %swap3A_812 = vector.shape_cast %swap3A_811 : vector<1x16xf32> to vector<16xf32>
        %swap3A_813 = vector.shape_cast %mul3A_808 : vector<16xf32> to vector<1x16xf32>
        tpu.vector_store %arg11[%swap3A_809, %swap3A_810], %swap3A_813 {strides = array<i32>} : memref<80x128xf32, #tpu.memory_space<vmem>>, vector<1x16xf32>,
        %get3A_814 = arith.index_cast %add3A_631 : i32 to index
        %get3A_815 = arith.constant 80 : index
        %get3A_816 = tpu.vector_load %arg11[%get3A_814, %get3A_815] {strides = array<i32>} : memref<80x128xf32, #tpu.memory_space<vmem>>, vector<1x16xf32>,
        %get3A_817 = vector.shape_cast %get3A_816 : vector<1x16xf32> to vector<16xf32>
        %get3A_818 = arith.index_cast %add3A_631 : i32 to index
        %get3A_819 = arith.constant 80 : index
        %get3A_820 = tpu.vector_load %arg13[%get3A_818, %get3A_819] {strides = array<i32>} : memref<80x128xf32, #tpu.memory_space<vmem>>, vector<1x16xf32>,
        %get3A_821 = vector.shape_cast %get3A_820 : vector<1x16xf32> to vector<16xf32>
        %mul3A_822 = arith.mulf %get3A_817, %get3A_821 : vector<16xf32>
        %swap3A_823 = arith.index_cast %add3A_631 : i32 to index
        %swap3A_824 = arith.constant 80 : index
        %swap3A_825 = tpu.vector_load %arg11[%swap3A_823, %swap3A_824] {strides = array<i32>} : memref<80x128xf32, #tpu.memory_space<vmem>>, vector<1x16xf32>,
        %swap3A_826 = vector.shape_cast %swap3A_825 : vector<1x16xf32> to vector<16xf32>
        %swap3A_827 = vector.shape_cast %mul3A_822 : vector<16xf32> to vector<1x16xf32>
        tpu.vector_store %arg11[%swap3A_823, %swap3A_824], %swap3A_827 {strides = array<i32>} : memref<80x128xf32, #tpu.memory_space<vmem>>, vector<1x16xf32>,
        %get3A_828 = arith.index_cast %add3A_631 : i32 to index
        %get3A_829 = arith.constant 96 : index
        %get3A_830 = tpu.vector_load %arg11[%get3A_828, %get3A_829] {strides = array<i32>} : memref<80x128xf32, #tpu.memory_space<vmem>>, vector<1x16xf32>,
        %get3A_831 = vector.shape_cast %get3A_830 : vector<1x16xf32> to vector<16xf32>
        %get3A_832 = arith.index_cast %add3A_631 : i32 to index
        %get3A_833 = arith.constant 96 : index
        %get3A_834 = tpu.vector_load %arg13[%get3A_832, %get3A_833] {strides = array<i32>} : memref<80x128xf32, #tpu.memory_space<vmem>>, vector<1x16xf32>,
        %get3A_835 = vector.shape_cast %get3A_834 : vector<1x16xf32> to vector<16xf32>
        %mul3A_836 = arith.mulf %get3A_831, %get3A_835 : vector<16xf32>
        %swap3A_837 = arith.index_cast %add3A_631 : i32 to index
        %swap3A_838 = arith.constant 96 : index
        %swap3A_839 = tpu.vector_load %arg11[%swap3A_837, %swap3A_838] {strides = array<i32>} : memref<80x128xf32, #tpu.memory_space<vmem>>, vector<1x16xf32>,
        %swap3A_840 = vector.shape_cast %swap3A_839 : vector<1x16xf32> to vector<16xf32>
        %swap3A_841 = vector.shape_cast %mul3A_836 : vector<16xf32> to vector<1x16xf32>
        tpu.vector_store %arg11[%swap3A_837, %swap3A_838], %swap3A_841 {strides = array<i32>} : memref<80x128xf32, #tpu.memory_space<vmem>>, vector<1x16xf32>,
        %get3A_842 = arith.index_cast %add3A_631 : i32 to index
        %get3A_843 = arith.constant 112 : index
        %get3A_844 = tpu.vector_load %arg11[%get3A_842, %get3A_843] {strides = array<i32>} : memref<80x128xf32, #tpu.memory_space<vmem>>, vector<1x16xf32>,
        %get3A_845 = vector.shape_cast %get3A_844 : vector<1x16xf32> to vector<16xf32>
        %get3A_846 = arith.index_cast %add3A_631 : i32 to index
        %get3A_847 = arith.constant 112 : index
        %get3A_848 = tpu.vector_load %arg13[%get3A_846, %get3A_847] {strides = array<i32>} : memref<80x128xf32, #tpu.memory_space<vmem>>, vector<1x16xf32>,
        %get3A_849 = vector.shape_cast %get3A_848 : vector<1x16xf32> to vector<16xf32>
        %mul3A_850 = arith.mulf %get3A_845, %get3A_849 : vector<16xf32>
        %swap3A_851 = arith.index_cast %add3A_631 : i32 to index
        %swap3A_852 = arith.constant 112 : index
        %swap3A_853 = tpu.vector_load %arg11[%swap3A_851, %swap3A_852] {strides = array<i32>} : memref<80x128xf32, #tpu.memory_space<vmem>>, vector<1x16xf32>,
        %swap3A_854 = vector.shape_cast %swap3A_853 : vector<1x16xf32> to vector<16xf32>
        %swap3A_855 = vector.shape_cast %mul3A_850 : vector<16xf32> to vector<1x16xf32>
        tpu.vector_store %arg11[%swap3A_851, %swap3A_852], %swap3A_855 {strides = array<i32>} : memref<80x128xf32, #tpu.memory_space<vmem>>, vector<1x16xf32>,
      }
      %scan3A_606 = arith.constant 40 : i32
      %dma_start3A_607 = arith.constant 0 : i32
      %dma_start3A_608 = arith.constant 0 : i32
      %dma_start3A_609 = tpu.memref_slice %arg9[%dma_start3A_607, %dma_start3A_608] : memref<1x80xi32, #tpu.memory_space<vmem>> -> memref<1x80xi32, #tpu.memory_space<vmem>>
      %dma_start3A_610 = tpu.memref_squeeze %dma_start3A_609 : memref<1x80xi32, #tpu.memory_space<vmem>> -> memref<80xi32, #tpu.memory_space<vmem>>
      %dma_start3A_611 = arith.constant 0 : i32
      %dma_start3A_612 = arith.constant 0 : i32
      %dma_start3A_613 = tpu.memref_slice %arg14[%dma_start3A_611, %dma_start3A_612] : memref<10240x128xf32, #tpu.memory_space<vmem_shared>> -> memref<10240x128xf32, #tpu.memory_space<vmem_shared>>
      tpu.enqueue_indirect_dma source(%arg11 : memref<80x128xf32, #tpu.memory_space<vmem>>) target(%dma_start3A_613 : memref<10240x128xf32, #tpu.memory_space<vmem_shared>>) offsets(%dma_start3A_610 : memref<80xi32, #tpu.memory_space<vmem>>) semaphore(%arg20 : memref<!tpu.dma_semaphore, #tpu.memory_space<semaphore_mem>>) {add = true}
      %add3A_614 = arith.constant 2 : i32
      %add3A_615 = arith.addi %add3A_367, %add3A_614 : i32
      %min3A_616 = arith.constant 124 : i32
      %min3A_617 = arith.minsi %add3A_615, %min3A_616 : i32
      %add3A_618 = arith.addi %mul3A_2, %min3A_617 : i32
      %dma_start3A_619 = arith.constant 0 : i32
      %dma_start3A_620 = arith.constant 0 : i32
      %dma_start3A_621 = tpu.memref_slice %arg4[%add3A_618, %dma_start3A_619, %dma_start3A_620] : memref<4000x2x80xi32, #tpu.memory_space<hbm>> -> memref<1x2x80xi32, #tpu.memory_space<hbm>>
      %dma_start3A_622 = tpu.memref_squeeze %dma_start3A_621 : memref<1x2x80xi32, #tpu.memory_space<hbm>> -> memref<2x80xi32, #tpu.memory_space<hbm>>
      %dma_start3A_623 = arith.constant 0 : i32
      %dma_start3A_624 = arith.constant 0 : i32
      %dma_start3A_625 = tpu.memref_slice %arg4[%add3A_618, %dma_start3A_623, %dma_start3A_624] : memref<4000x2x80xi32, #tpu.memory_space<hbm>> -> memref<1x2x80xi32, #tpu.memory_space<hbm>>
      %dma_start3A_626 = tpu.memref_squeeze %dma_start3A_625 : memref<1x2x80xi32, #tpu.memory_space<hbm>> -> memref<2x80xi32, #tpu.memory_space<hbm>>
      tpu.enqueue_dma source(%dma_start3A_626 : memref<2x80xi32, #tpu.memory_space<hbm>>) target(%arg7 : memref<2x80xi32, #tpu.memory_space<vmem>>) target_semaphore(%arg18 : memref<!tpu.dma_semaphore, #tpu.memory_space<semaphore_mem>>)
    }
    %scan3A_254 = arith.constant 62 : i32
    %dma_wait3A_255 = arith.constant 0 : i32
    %dma_wait3A_256 = arith.constant 0 : i32
    %dma_wait3A_257 = arith.constant 0 : i32
    %dma_wait3A_258 = tpu.memref_slice %arg4[%dma_wait3A_255, %dma_wait3A_256, %dma_wait3A_257] : memref<4000x2x80xi32, #tpu.memory_space<hbm>> -> memref<1x2x80xi32, #tpu.memory_space<hbm>>
    %dma_wait3A_259 = tpu.memref_squeeze %dma_wait3A_258 : memref<1x2x80xi32, #tpu.memory_space<hbm>> -> memref<2x80xi32, #tpu.memory_space<hbm>>
    %dma_wait3A_260 = arith.constant 0 : i32
    %dma_wait3A_261 = arith.constant 0 : i32
    %dma_wait3A_262 = tpu.memref_slice %arg4[%dma_wait3A_255, %dma_wait3A_260, %dma_wait3A_261] : memref<4000x2x80xi32, #tpu.memory_space<hbm>> -> memref<1x2x80xi32, #tpu.memory_space<hbm>>
    %dma_wait3A_263 = tpu.memref_squeeze %dma_wait3A_262 : memref<1x2x80xi32, #tpu.memory_space<hbm>> -> memref<2x80xi32, #tpu.memory_space<hbm>>
    tpu.wait_dma2 semaphore(%arg18 : memref<!tpu.dma_semaphore, #tpu.memory_space<semaphore_mem>>) src(%dma_wait3A_263 : memref<2x80xi32, #tpu.memory_space<hbm>>) dst(%arg7 : memref<2x80xi32, #tpu.memory_space<vmem>>)
    %dma_wait3A_264 = arith.constant 0 : i32
    %dma_wait3A_265 = arith.constant 0 : i32
    %dma_wait3A_266 = tpu.memref_slice %arg9[%dma_wait3A_264, %dma_wait3A_265] : memref<1x80xi32, #tpu.memory_space<vmem>> -> memref<1x80xi32, #tpu.memory_space<vmem>>
    %dma_wait3A_267 = tpu.memref_squeeze %dma_wait3A_266 : memref<1x80xi32, #tpu.memory_space<vmem>> -> memref<80xi32, #tpu.memory_space<vmem>>
    %dma_wait3A_268 = arith.constant 0 : i32
    %dma_wait3A_269 = arith.constant 0 : i32
    %dma_wait3A_270 = tpu.memref_slice %arg14[%dma_wait3A_268, %dma_wait3A_269] : memref<10240x128xf32, #tpu.memory_space<vmem_shared>> -> memref<10240x128xf32, #tpu.memory_space<vmem_shared>>
    tpu.wait_indirect_dma semaphore(%arg20 : memref<!tpu.dma_semaphore, #tpu.memory_space<semaphore_mem>>) src(%arg11 : memref<80x128xf32, #tpu.memory_space<vmem>>) dst(%dma_wait3A_270 : memref<10240x128xf32, #tpu.memory_space<vmem_shared>>)
    %dma_wait3A_271 = arith.constant 0 : i32
    %dma_wait3A_272 = arith.constant 0 : i32
    %dma_wait3A_273 = tpu.memref_slice %arg2[%dma_wait3A_271, %dma_wait3A_272] : memref<10000x128xf32, #tpu.memory_space<hbm>> -> memref<80x128xf32, #tpu.memory_space<hbm>>
    %dma_wait3A_274 = arith.constant 0 : i32
    %dma_wait3A_275 = arith.constant 0 : i32
    %dma_wait3A_276 = tpu.memref_slice %arg2[%dma_wait3A_274, %dma_wait3A_275] : memref<10000x128xf32, #tpu.memory_space<hbm>> -> memref<80x128xf32, #tpu.memory_space<hbm>>
    tpu.wait_dma2 semaphore(%arg15 : memref<!tpu.dma_semaphore, #tpu.memory_space<semaphore_mem>>) src(%dma_wait3A_276 : memref<80x128xf32, #tpu.memory_space<hbm>>) dst(%arg10 : memref<80x128xf32, #tpu.memory_space<vmem>>)
    %dma_wait3A_277 = arith.constant 0 : i32
    %dma_wait3A_278 = arith.constant 0 : i32
    %dma_wait3A_279 = arith.constant 0 : i32
    %dma_wait3A_280 = tpu.memref_slice %arg3[%dma_wait3A_277, %dma_wait3A_278, %dma_wait3A_279] : memref<4000x80x128xf32, #tpu.memory_space<hbm>> -> memref<1x80x128xf32, #tpu.memory_space<hbm>>
    %dma_wait3A_281 = tpu.memref_squeeze %dma_wait3A_280 : memref<1x80x128xf32, #tpu.memory_space<hbm>> -> memref<80x128xf32, #tpu.memory_space<hbm>>
    %dma_wait3A_282 = arith.constant 0 : i32
    %dma_wait3A_283 = arith.constant 0 : i32
    %dma_wait3A_284 = tpu.memref_slice %arg3[%dma_wait3A_277, %dma_wait3A_282, %dma_wait3A_283] : memref<4000x80x128xf32, #tpu.memory_space<hbm>> -> memref<1x80x128xf32, #tpu.memory_space<hbm>>
    %dma_wait3A_285 = tpu.memref_squeeze %dma_wait3A_284 : memref<1x80x128xf32, #tpu.memory_space<hbm>> -> memref<80x128xf32, #tpu.memory_space<hbm>>
    tpu.wait_dma2 semaphore(%arg15 : memref<!tpu.dma_semaphore, #tpu.memory_space<semaphore_mem>>) src(%dma_wait3A_285 : memref<80x128xf32, #tpu.memory_space<hbm>>) dst(%arg12 : memref<80x128xf32, #tpu.memory_space<vmem>>)
    %get3A = arith.constant 0 : i32
    %get3A_286 = arith.index_cast %get3A : i32 to index
    %get3A_287 = arith.constant 0 : index
    %get3A_288 = tpu.vector_load %arg6[%get3A_286, %get3A_287] {strides = array<i32>} : memref<2x80xi32, #tpu.memory_space<vmem>>, vector<1x16xi32>,
    %get3A_289 = vector.shape_cast %get3A_288 : vector<1x16xi32> to vector<16xi32>
    %swap3A_290 = arith.constant 0 : i32
    %swap3A_291 = arith.index_cast %swap3A_290 : i32 to index
    %swap3A_292 = arith.constant 0 : index
    %swap3A_293 = tpu.vector_load %arg8[%swap3A_291, %swap3A_292] {strides = array<i32>} : memref<1x80xi32, #tpu.memory_space<vmem>>, vector<1x16xi32>,
    %swap3A_294 = vector.shape_cast %swap3A_293 : vector<1x16xi32> to vector<16xi32>
    %swap3A_295 = vector.shape_cast %get3A_289 : vector<16xi32> to vector<1x16xi32>
    tpu.vector_store %arg8[%swap3A_291, %swap3A_292], %swap3A_295 {strides = array<i32>} : memref<1x80xi32, #tpu.memory_space<vmem>>, vector<1x16xi32>,
    %get3A_296 = arith.constant 0 : i32
    %get3A_297 = arith.index_cast %get3A_296 : i32 to index
    %get3A_298 = arith.constant 16 : index
    %get3A_299 = tpu.vector_load %arg6[%get3A_297, %get3A_298] {strides = array<i32>} : memref<2x80xi32, #tpu.memory_space<vmem>>, vector<1x16xi32>,
    %get3A_300 = vector.shape_cast %get3A_299 : vector<1x16xi32> to vector<16xi32>
    %swap3A_301 = arith.constant 0 : i32
    %swap3A_302 = arith.index_cast %swap3A_301 : i32 to index
    %swap3A_303 = arith.constant 16 : index
    %swap3A_304 = tpu.vector_load %arg8[%swap3A_302, %swap3A_303] {strides = array<i32>} : memref<1x80xi32, #tpu.memory_space<vmem>>, vector<1x16xi32>,
    %swap3A_305 = vector.shape_cast %swap3A_304 : vector<1x16xi32> to vector<16xi32>
    %swap3A_306 = vector.shape_cast %get3A_300 : vector<16xi32> to vector<1x16xi32>
    tpu.vector_store %arg8[%swap3A_302, %swap3A_303], %swap3A_306 {strides = array<i32>} : memref<1x80xi32, #tpu.memory_space<vmem>>, vector<1x16xi32>,
    %get3A_307 = arith.constant 0 : i32
    %get3A_308 = arith.index_cast %get3A_307 : i32 to index
    %get3A_309 = arith.constant 32 : index
    %get3A_310 = tpu.vector_load %arg6[%get3A_308, %get3A_309] {strides = array<i32>} : memref<2x80xi32, #tpu.memory_space<vmem>>, vector<1x16xi32>,
    %get3A_311 = vector.shape_cast %get3A_310 : vector<1x16xi32> to vector<16xi32>
    %swap3A_312 = arith.constant 0 : i32
    %swap3A_313 = arith.index_cast %swap3A_312 : i32 to index
    %swap3A_314 = arith.constant 32 : index
    %swap3A_315 = tpu.vector_load %arg8[%swap3A_313, %swap3A_314] {strides = array<i32>} : memref<1x80xi32, #tpu.memory_space<vmem>>, vector<1x16xi32>,
    %swap3A_316 = vector.shape_cast %swap3A_315 : vector<1x16xi32> to vector<16xi32>
    %swap3A_317 = vector.shape_cast %get3A_311 : vector<16xi32> to vector<1x16xi32>
    tpu.vector_store %arg8[%swap3A_313, %swap3A_314], %swap3A_317 {strides = array<i32>} : memref<1x80xi32, #tpu.memory_space<vmem>>, vector<1x16xi32>,
    %get3A_318 = arith.constant 0 : i32
    %get3A_319 = arith.index_cast %get3A_318 : i32 to index
    %get3A_320 = arith.constant 48 : index
    %get3A_321 = tpu.vector_load %arg6[%get3A_319, %get3A_320] {strides = array<i32>} : memref<2x80xi32, #tpu.memory_space<vmem>>, vector<1x16xi32>,
    %get3A_322 = vector.shape_cast %get3A_321 : vector<1x16xi32> to vector<16xi32>
    %swap3A_323 = arith.constant 0 : i32
    %swap3A_324 = arith.index_cast %swap3A_323 : i32 to index
    %swap3A_325 = arith.constant 48 : index
    %swap3A_326 = tpu.vector_load %arg8[%swap3A_324, %swap3A_325] {strides = array<i32>} : memref<1x80xi32, #tpu.memory_space<vmem>>, vector<1x16xi32>,
    %swap3A_327 = vector.shape_cast %swap3A_326 : vector<1x16xi32> to vector<16xi32>
    %swap3A_328 = vector.shape_cast %get3A_322 : vector<16xi32> to vector<1x16xi32>
    tpu.vector_store %arg8[%swap3A_324, %swap3A_325], %swap3A_328 {strides = array<i32>} : memref<1x80xi32, #tpu.memory_space<vmem>>, vector<1x16xi32>,
    %get3A_329 = arith.constant 0 : i32
    %get3A_330 = arith.index_cast %get3A_329 : i32 to index
    %get3A_331 = arith.constant 64 : index
    %get3A_332 = tpu.vector_load %arg6[%get3A_330, %get3A_331] {strides = array<i32>} : memref<2x80xi32, #tpu.memory_space<vmem>>, vector<1x16xi32>,
    %get3A_333 = vector.shape_cast %get3A_332 : vector<1x16xi32> to vector<16xi32>
    %swap3A_334 = arith.constant 0 : i32
    %swap3A_335 = arith.index_cast %swap3A_334 : i32 to index
    %swap3A_336 = arith.constant 64 : index
    %swap3A_337 = tpu.vector_load %arg8[%swap3A_335, %swap3A_336] {strides = array<i32>} : memref<1x80xi32, #tpu.memory_space<vmem>>, vector<1x16xi32>,
    %swap3A_338 = vector.shape_cast %swap3A_337 : vector<1x16xi32> to vector<16xi32>
    %swap3A_339 = vector.shape_cast %get3A_333 : vector<16xi32> to vector<1x16xi32>
    tpu.vector_store %arg8[%swap3A_335, %swap3A_336], %swap3A_339 {strides = array<i32>} : memref<1x80xi32, #tpu.memory_space<vmem>>, vector<1x16xi32>,
    %scan3A_340 = arith.constant 0 : i32
    %scan3A_341 = arith.constant 0 : i32
    %scan3A_342 = arith.constant 40 : i32
    %scan3A_343 = arith.addi %scan3A_341, %scan3A_342 : i32
    %scan3A_344 = arith.constant 1 : i32
    scf.for %scan3A_361 = %scan3A_341 to %scan3A_343 step %scan3A_344  : i32 {
      %mul3A_362 = arith.constant 2 : i32
      %mul3A_363 = arith.muli %mul3A_362, %scan3A_361 : i32
      %multiple_of3A = tpu.assume_multiple %mul3A_363, 2 : i32
      %add3A_364 = arith.constant 1 : i32
      %add3A_365 = arith.addi %multiple_of3A, %add3A_364 : i32
      %get3A_366 = arith.index_cast %multiple_of3A : i32 to index
      %get3A_367 = arith.constant 0 : index
      %get3A_368 = tpu.vector_load %arg10[%get3A_366, %get3A_367] {strides = array<i32>} : memref<80x128xf32, #tpu.memory_space<vmem>>, vector<1x16xf32>,
      %get3A_369 = vector.shape_cast %get3A_368 : vector<1x16xf32> to vector<16xf32>
      %get3A_370 = arith.index_cast %multiple_of3A : i32 to index
      %get3A_371 = arith.constant 0 : index
      %get3A_372 = tpu.vector_load %arg12[%get3A_370, %get3A_371] {strides = array<i32>} : memref<80x128xf32, #tpu.memory_space<vmem>>, vector<1x16xf32>,
      %get3A_373 = vector.shape_cast %get3A_372 : vector<1x16xf32> to vector<16xf32>
      %mul3A_374 = arith.mulf %get3A_369, %get3A_373 : vector<16xf32>
      %swap3A_375 = arith.index_cast %multiple_of3A : i32 to index
      %swap3A_376 = arith.constant 0 : index
      %swap3A_377 = tpu.vector_load %arg10[%swap3A_375, %swap3A_376] {strides = array<i32>} : memref<80x128xf32, #tpu.memory_space<vmem>>, vector<1x16xf32>,
      %swap3A_378 = vector.shape_cast %swap3A_377 : vector<1x16xf32> to vector<16xf32>
      %swap3A_379 = vector.shape_cast %mul3A_374 : vector<16xf32> to vector<1x16xf32>
      tpu.vector_store %arg10[%swap3A_375, %swap3A_376], %swap3A_379 {strides = array<i32>} : memref<80x128xf32, #tpu.memory_space<vmem>>, vector<1x16xf32>,
      %get3A_380 = arith.index_cast %multiple_of3A : i32 to index
      %get3A_381 = arith.constant 16 : index
      %get3A_382 = tpu.vector_load %arg10[%get3A_380, %get3A_381] {strides = array<i32>} : memref<80x128xf32, #tpu.memory_space<vmem>>, vector<1x16xf32>,
      %get3A_383 = vector.shape_cast %get3A_382 : vector<1x16xf32> to vector<16xf32>
      %get3A_384 = arith.index_cast %multiple_of3A : i32 to index
      %get3A_385 = arith.constant 16 : index
      %get3A_386 = tpu.vector_load %arg12[%get3A_384, %get3A_385] {strides = array<i32>} : memref<80x128xf32, #tpu.memory_space<vmem>>, vector<1x16xf32>,
      %get3A_387 = vector.shape_cast %get3A_386 : vector<1x16xf32> to vector<16xf32>
      %mul3A_388 = arith.mulf %get3A_383, %get3A_387 : vector<16xf32>
      %swap3A_389 = arith.index_cast %multiple_of3A : i32 to index
      %swap3A_390 = arith.constant 16 : index
      %swap3A_391 = tpu.vector_load %arg10[%swap3A_389, %swap3A_390] {strides = array<i32>} : memref<80x128xf32, #tpu.memory_space<vmem>>, vector<1x16xf32>,
      %swap3A_392 = vector.shape_cast %swap3A_391 : vector<1x16xf32> to vector<16xf32>
      %swap3A_393 = vector.shape_cast %mul3A_388 : vector<16xf32> to vector<1x16xf32>
      tpu.vector_store %arg10[%swap3A_389, %swap3A_390], %swap3A_393 {strides = array<i32>} : memref<80x128xf32, #tpu.memory_space<vmem>>, vector<1x16xf32>,
      %get3A_394 = arith.index_cast %multiple_of3A : i32 to index
      %get3A_395 = arith.constant 32 : index
      %get3A_396 = tpu.vector_load %arg10[%get3A_394, %get3A_395] {strides = array<i32>} : memref<80x128xf32, #tpu.memory_space<vmem>>, vector<1x16xf32>,
      %get3A_397 = vector.shape_cast %get3A_396 : vector<1x16xf32> to vector<16xf32>
      %get3A_398 = arith.index_cast %multiple_of3A : i32 to index
      %get3A_399 = arith.constant 32 : index
      %get3A_400 = tpu.vector_load %arg12[%get3A_398, %get3A_399] {strides = array<i32>} : memref<80x128xf32, #tpu.memory_space<vmem>>, vector<1x16xf32>,
      %get3A_401 = vector.shape_cast %get3A_400 : vector<1x16xf32> to vector<16xf32>
      %mul3A_402 = arith.mulf %get3A_397, %get3A_401 : vector<16xf32>
      %swap3A_403 = arith.index_cast %multiple_of3A : i32 to index
      %swap3A_404 = arith.constant 32 : index
      %swap3A_405 = tpu.vector_load %arg10[%swap3A_403, %swap3A_404] {strides = array<i32>} : memref<80x128xf32, #tpu.memory_space<vmem>>, vector<1x16xf32>,
      %swap3A_406 = vector.shape_cast %swap3A_405 : vector<1x16xf32> to vector<16xf32>
      %swap3A_407 = vector.shape_cast %mul3A_402 : vector<16xf32> to vector<1x16xf32>
      tpu.vector_store %arg10[%swap3A_403, %swap3A_404], %swap3A_407 {strides = array<i32>} : memref<80x128xf32, #tpu.memory_space<vmem>>, vector<1x16xf32>,
      %get3A_408 = arith.index_cast %multiple_of3A : i32 to index
      %get3A_409 = arith.constant 48 : index
      %get3A_410 = tpu.vector_load %arg10[%get3A_408, %get3A_409] {strides = array<i32>} : memref<80x128xf32, #tpu.memory_space<vmem>>, vector<1x16xf32>,
      %get3A_411 = vector.shape_cast %get3A_410 : vector<1x16xf32> to vector<16xf32>
      %get3A_412 = arith.index_cast %multiple_of3A : i32 to index
      %get3A_413 = arith.constant 48 : index
      %get3A_414 = tpu.vector_load %arg12[%get3A_412, %get3A_413] {strides = array<i32>} : memref<80x128xf32, #tpu.memory_space<vmem>>, vector<1x16xf32>,
      %get3A_415 = vector.shape_cast %get3A_414 : vector<1x16xf32> to vector<16xf32>
      %mul3A_416 = arith.mulf %get3A_411, %get3A_415 : vector<16xf32>
      %swap3A_417 = arith.index_cast %multiple_of3A : i32 to index
      %swap3A_418 = arith.constant 48 : index
      %swap3A_419 = tpu.vector_load %arg10[%swap3A_417, %swap3A_418] {strides = array<i32>} : memref<80x128xf32, #tpu.memory_space<vmem>>, vector<1x16xf32>,
      %swap3A_420 = vector.shape_cast %swap3A_419 : vector<1x16xf32> to vector<16xf32>
      %swap3A_421 = vector.shape_cast %mul3A_416 : vector<16xf32> to vector<1x16xf32>
      tpu.vector_store %arg10[%swap3A_417, %swap3A_418], %swap3A_421 {strides = array<i32>} : memref<80x128xf32, #tpu.memory_space<vmem>>, vector<1x16xf32>,
      %get3A_422 = arith.index_cast %multiple_of3A : i32 to index
      %get3A_423 = arith.constant 64 : index
      %get3A_424 = tpu.vector_load %arg10[%get3A_422, %get3A_423] {strides = array<i32>} : memref<80x128xf32, #tpu.memory_space<vmem>>, vector<1x16xf32>,
      %get3A_425 = vector.shape_cast %get3A_424 : vector<1x16xf32> to vector<16xf32>
      %get3A_426 = arith.index_cast %multiple_of3A : i32 to index
      %get3A_427 = arith.constant 64 : index
      %get3A_428 = tpu.vector_load %arg12[%get3A_426, %get3A_427] {strides = array<i32>} : memref<80x128xf32, #tpu.memory_space<vmem>>, vector<1x16xf32>,
      %get3A_429 = vector.shape_cast %get3A_428 : vector<1x16xf32> to vector<16xf32>
      %mul3A_430 = arith.mulf %get3A_425, %get3A_429 : vector<16xf32>
      %swap3A_431 = arith.index_cast %multiple_of3A : i32 to index
      %swap3A_432 = arith.constant 64 : index
      %swap3A_433 = tpu.vector_load %arg10[%swap3A_431, %swap3A_432] {strides = array<i32>} : memref<80x128xf32, #tpu.memory_space<vmem>>, vector<1x16xf32>,
      %swap3A_434 = vector.shape_cast %swap3A_433 : vector<1x16xf32> to vector<16xf32>
      %swap3A_435 = vector.shape_cast %mul3A_430 : vector<16xf32> to vector<1x16xf32>
      tpu.vector_store %arg10[%swap3A_431, %swap3A_432], %swap3A_435 {strides = array<i32>} : memref<80x128xf32, #tpu.memory_space<vmem>>, vector<1x16xf32>,
      %get3A_436 = arith.index_cast %multiple_of3A : i32 to index
      %get3A_437 = arith.constant 80 : index
      %get3A_438 = tpu.vector_load %arg10[%get3A_436, %get3A_437] {strides = array<i32>} : memref<80x128xf32, #tpu.memory_space<vmem>>, vector<1x16xf32>,
      %get3A_439 = vector.shape_cast %get3A_438 : vector<1x16xf32> to vector<16xf32>
      %get3A_440 = arith.index_cast %multiple_of3A : i32 to index
      %get3A_441 = arith.constant 80 : index
      %get3A_442 = tpu.vector_load %arg12[%get3A_440, %get3A_441] {strides = array<i32>} : memref<80x128xf32, #tpu.memory_space<vmem>>, vector<1x16xf32>,
      %get3A_443 = vector.shape_cast %get3A_442 : vector<1x16xf32> to vector<16xf32>
      %mul3A_444 = arith.mulf %get3A_439, %get3A_443 : vector<16xf32>
      %swap3A_445 = arith.index_cast %multiple_of3A : i32 to index
      %swap3A_446 = arith.constant 80 : index
      %swap3A_447 = tpu.vector_load %arg10[%swap3A_445, %swap3A_446] {strides = array<i32>} : memref<80x128xf32, #tpu.memory_space<vmem>>, vector<1x16xf32>,
      %swap3A_448 = vector.shape_cast %swap3A_447 : vector<1x16xf32> to vector<16xf32>
      %swap3A_449 = vector.shape_cast %mul3A_444 : vector<16xf32> to vector<1x16xf32>
      tpu.vector_store %arg10[%swap3A_445, %swap3A_446], %swap3A_449 {strides = array<i32>} : memref<80x128xf32, #tpu.memory_space<vmem>>, vector<1x16xf32>,
      %get3A_450 = arith.index_cast %multiple_of3A : i32 to index
      %get3A_451 = arith.constant 96 : index
      %get3A_452 = tpu.vector_load %arg10[%get3A_450, %get3A_451] {strides = array<i32>} : memref<80x128xf32, #tpu.memory_space<vmem>>, vector<1x16xf32>,
      %get3A_453 = vector.shape_cast %get3A_452 : vector<1x16xf32> to vector<16xf32>
      %get3A_454 = arith.index_cast %multiple_of3A : i32 to index
      %get3A_455 = arith.constant 96 : index
      %get3A_456 = tpu.vector_load %arg12[%get3A_454, %get3A_455] {strides = array<i32>} : memref<80x128xf32, #tpu.memory_space<vmem>>, vector<1x16xf32>,
      %get3A_457 = vector.shape_cast %get3A_456 : vector<1x16xf32> to vector<16xf32>
      %mul3A_458 = arith.mulf %get3A_453, %get3A_457 : vector<16xf32>
      %swap3A_459 = arith.index_cast %multiple_of3A : i32 to index
      %swap3A_460 = arith.constant 96 : index
      %swap3A_461 = tpu.vector_load %arg10[%swap3A_459, %swap3A_460] {strides = array<i32>} : memref<80x128xf32, #tpu.memory_space<vmem>>, vector<1x16xf32>,
      %swap3A_462 = vector.shape_cast %swap3A_461 : vector<1x16xf32> to vector<16xf32>
      %swap3A_463 = vector.shape_cast %mul3A_458 : vector<16xf32> to vector<1x16xf32>
      tpu.vector_store %arg10[%swap3A_459, %swap3A_460], %swap3A_463 {strides = array<i32>} : memref<80x128xf32, #tpu.memory_space<vmem>>, vector<1x16xf32>,
      %get3A_464 = arith.index_cast %multiple_of3A : i32 to index
      %get3A_465 = arith.constant 112 : index
      %get3A_466 = tpu.vector_load %arg10[%get3A_464, %get3A_465] {strides = array<i32>} : memref<80x128xf32, #tpu.memory_space<vmem>>, vector<1x16xf32>,
      %get3A_467 = vector.shape_cast %get3A_466 : vector<1x16xf32> to vector<16xf32>
      %get3A_468 = arith.index_cast %multiple_of3A : i32 to index
      %get3A_469 = arith.constant 112 : index
      %get3A_470 = tpu.vector_load %arg12[%get3A_468, %get3A_469] {strides = array<i32>} : memref<80x128xf32, #tpu.memory_space<vmem>>, vector<1x16xf32>,
      %get3A_471 = vector.shape_cast %get3A_470 : vector<1x16xf32> to vector<16xf32>
      %mul3A_472 = arith.mulf %get3A_467, %get3A_471 : vector<16xf32>
      %swap3A_473 = arith.index_cast %multiple_of3A : i32 to index
      %swap3A_474 = arith.constant 112 : index
      %swap3A_475 = tpu.vector_load %arg10[%swap3A_473, %swap3A_474] {strides = array<i32>} : memref<80x128xf32, #tpu.memory_space<vmem>>, vector<1x16xf32>,
      %swap3A_476 = vector.shape_cast %swap3A_475 : vector<1x16xf32> to vector<16xf32>
      %swap3A_477 = vector.shape_cast %mul3A_472 : vector<16xf32> to vector<1x16xf32>
      tpu.vector_store %arg10[%swap3A_473, %swap3A_474], %swap3A_477 {strides = array<i32>} : memref<80x128xf32, #tpu.memory_space<vmem>>, vector<1x16xf32>,
      %get3A_478 = arith.index_cast %add3A_365 : i32 to index
      %get3A_479 = arith.constant 0 : index
      %get3A_480 = tpu.vector_load %arg10[%get3A_478, %get3A_479] {strides = array<i32>} : memref<80x128xf32, #tpu.memory_space<vmem>>, vector<1x16xf32>,
      %get3A_481 = vector.shape_cast %get3A_480 : vector<1x16xf32> to vector<16xf32>
      %get3A_482 = arith.index_cast %add3A_365 : i32 to index
      %get3A_483 = arith.constant 0 : index
      %get3A_484 = tpu.vector_load %arg12[%get3A_482, %get3A_483] {strides = array<i32>} : memref<80x128xf32, #tpu.memory_space<vmem>>, vector<1x16xf32>,
      %get3A_485 = vector.shape_cast %get3A_484 : vector<1x16xf32> to vector<16xf32>
      %mul3A_486 = arith.mulf %get3A_481, %get3A_485 : vector<16xf32>
      %swap3A_487 = arith.index_cast %add3A_365 : i32 to index
      %swap3A_488 = arith.constant 0 : index
      %swap3A_489 = tpu.vector_load %arg10[%swap3A_487, %swap3A_488] {strides = array<i32>} : memref<80x128xf32, #tpu.memory_space<vmem>>, vector<1x16xf32>,
      %swap3A_490 = vector.shape_cast %swap3A_489 : vector<1x16xf32> to vector<16xf32>
      %swap3A_491 = vector.shape_cast %mul3A_486 : vector<16xf32> to vector<1x16xf32>
      tpu.vector_store %arg10[%swap3A_487, %swap3A_488], %swap3A_491 {strides = array<i32>} : memref<80x128xf32, #tpu.memory_space<vmem>>, vector<1x16xf32>,
      %get3A_492 = arith.index_cast %add3A_365 : i32 to index
      %get3A_493 = arith.constant 16 : index
      %get3A_494 = tpu.vector_load %arg10[%get3A_492, %get3A_493] {strides = array<i32>} : memref<80x128xf32, #tpu.memory_space<vmem>>, vector<1x16xf32>,
      %get3A_495 = vector.shape_cast %get3A_494 : vector<1x16xf32> to vector<16xf32>
      %get3A_496 = arith.index_cast %add3A_365 : i32 to index
      %get3A_497 = arith.constant 16 : index
      %get3A_498 = tpu.vector_load %arg12[%get3A_496, %get3A_497] {strides = array<i32>} : memref<80x128xf32, #tpu.memory_space<vmem>>, vector<1x16xf32>,
      %get3A_499 = vector.shape_cast %get3A_498 : vector<1x16xf32> to vector<16xf32>
      %mul3A_500 = arith.mulf %get3A_495, %get3A_499 : vector<16xf32>
      %swap3A_501 = arith.index_cast %add3A_365 : i32 to index
      %swap3A_502 = arith.constant 16 : index
      %swap3A_503 = tpu.vector_load %arg10[%swap3A_501, %swap3A_502] {strides = array<i32>} : memref<80x128xf32, #tpu.memory_space<vmem>>, vector<1x16xf32>,
      %swap3A_504 = vector.shape_cast %swap3A_503 : vector<1x16xf32> to vector<16xf32>
      %swap3A_505 = vector.shape_cast %mul3A_500 : vector<16xf32> to vector<1x16xf32>
      tpu.vector_store %arg10[%swap3A_501, %swap3A_502], %swap3A_505 {strides = array<i32>} : memref<80x128xf32, #tpu.memory_space<vmem>>, vector<1x16xf32>,
      %get3A_506 = arith.index_cast %add3A_365 : i32 to index
      %get3A_507 = arith.constant 32 : index
      %get3A_508 = tpu.vector_load %arg10[%get3A_506, %get3A_507] {strides = array<i32>} : memref<80x128xf32, #tpu.memory_space<vmem>>, vector<1x16xf32>,
      %get3A_509 = vector.shape_cast %get3A_508 : vector<1x16xf32> to vector<16xf32>
      %get3A_510 = arith.index_cast %add3A_365 : i32 to index
      %get3A_511 = arith.constant 32 : index
      %get3A_512 = tpu.vector_load %arg12[%get3A_510, %get3A_511] {strides = array<i32>} : memref<80x128xf32, #tpu.memory_space<vmem>>, vector<1x16xf32>,
      %get3A_513 = vector.shape_cast %get3A_512 : vector<1x16xf32> to vector<16xf32>
      %mul3A_514 = arith.mulf %get3A_509, %get3A_513 : vector<16xf32>
      %swap3A_515 = arith.index_cast %add3A_365 : i32 to index
      %swap3A_516 = arith.constant 32 : index
      %swap3A_517 = tpu.vector_load %arg10[%swap3A_515, %swap3A_516] {strides = array<i32>} : memref<80x128xf32, #tpu.memory_space<vmem>>, vector<1x16xf32>,
      %swap3A_518 = vector.shape_cast %swap3A_517 : vector<1x16xf32> to vector<16xf32>
      %swap3A_519 = vector.shape_cast %mul3A_514 : vector<16xf32> to vector<1x16xf32>
      tpu.vector_store %arg10[%swap3A_515, %swap3A_516], %swap3A_519 {strides = array<i32>} : memref<80x128xf32, #tpu.memory_space<vmem>>, vector<1x16xf32>,
      %get3A_520 = arith.index_cast %add3A_365 : i32 to index
      %get3A_521 = arith.constant 48 : index
      %get3A_522 = tpu.vector_load %arg10[%get3A_520, %get3A_521] {strides = array<i32>} : memref<80x128xf32, #tpu.memory_space<vmem>>, vector<1x16xf32>,
      %get3A_523 = vector.shape_cast %get3A_522 : vector<1x16xf32> to vector<16xf32>
      %get3A_524 = arith.index_cast %add3A_365 : i32 to index
      %get3A_525 = arith.constant 48 : index
      %get3A_526 = tpu.vector_load %arg12[%get3A_524, %get3A_525] {strides = array<i32>} : memref<80x128xf32, #tpu.memory_space<vmem>>, vector<1x16xf32>,
      %get3A_527 = vector.shape_cast %get3A_526 : vector<1x16xf32> to vector<16xf32>
      %mul3A_528 = arith.mulf %get3A_523, %get3A_527 : vector<16xf32>
      %swap3A_529 = arith.index_cast %add3A_365 : i32 to index
      %swap3A_530 = arith.constant 48 : index
      %swap3A_531 = tpu.vector_load %arg10[%swap3A_529, %swap3A_530] {strides = array<i32>} : memref<80x128xf32, #tpu.memory_space<vmem>>, vector<1x16xf32>,
      %swap3A_532 = vector.shape_cast %swap3A_531 : vector<1x16xf32> to vector<16xf32>
      %swap3A_533 = vector.shape_cast %mul3A_528 : vector<16xf32> to vector<1x16xf32>
      tpu.vector_store %arg10[%swap3A_529, %swap3A_530], %swap3A_533 {strides = array<i32>} : memref<80x128xf32, #tpu.memory_space<vmem>>, vector<1x16xf32>,
      %get3A_534 = arith.index_cast %add3A_365 : i32 to index
      %get3A_535 = arith.constant 64 : index
      %get3A_536 = tpu.vector_load %arg10[%get3A_534, %get3A_535] {strides = array<i32>} : memref<80x128xf32, #tpu.memory_space<vmem>>, vector<1x16xf32>,
      %get3A_537 = vector.shape_cast %get3A_536 : vector<1x16xf32> to vector<16xf32>
      %get3A_538 = arith.index_cast %add3A_365 : i32 to index
      %get3A_539 = arith.constant 64 : index
      %get3A_540 = tpu.vector_load %arg12[%get3A_538, %get3A_539] {strides = array<i32>} : memref<80x128xf32, #tpu.memory_space<vmem>>, vector<1x16xf32>,
      %get3A_541 = vector.shape_cast %get3A_540 : vector<1x16xf32> to vector<16xf32>
      %mul3A_542 = arith.mulf %get3A_537, %get3A_541 : vector<16xf32>
      %swap3A_543 = arith.index_cast %add3A_365 : i32 to index
      %swap3A_544 = arith.constant 64 : index
      %swap3A_545 = tpu.vector_load %arg10[%swap3A_543, %swap3A_544] {strides = array<i32>} : memref<80x128xf32, #tpu.memory_space<vmem>>, vector<1x16xf32>,
      %swap3A_546 = vector.shape_cast %swap3A_545 : vector<1x16xf32> to vector<16xf32>
      %swap3A_547 = vector.shape_cast %mul3A_542 : vector<16xf32> to vector<1x16xf32>
      tpu.vector_store %arg10[%swap3A_543, %swap3A_544], %swap3A_547 {strides = array<i32>} : memref<80x128xf32, #tpu.memory_space<vmem>>, vector<1x16xf32>,
      %get3A_548 = arith.index_cast %add3A_365 : i32 to index
      %get3A_549 = arith.constant 80 : index
      %get3A_550 = tpu.vector_load %arg10[%get3A_548, %get3A_549] {strides = array<i32>} : memref<80x128xf32, #tpu.memory_space<vmem>>, vector<1x16xf32>,
      %get3A_551 = vector.shape_cast %get3A_550 : vector<1x16xf32> to vector<16xf32>
      %get3A_552 = arith.index_cast %add3A_365 : i32 to index
      %get3A_553 = arith.constant 80 : index
      %get3A_554 = tpu.vector_load %arg12[%get3A_552, %get3A_553] {strides = array<i32>} : memref<80x128xf32, #tpu.memory_space<vmem>>, vector<1x16xf32>,
      %get3A_555 = vector.shape_cast %get3A_554 : vector<1x16xf32> to vector<16xf32>
      %mul3A_556 = arith.mulf %get3A_551, %get3A_555 : vector<16xf32>
      %swap3A_557 = arith.index_cast %add3A_365 : i32 to index
      %swap3A_558 = arith.constant 80 : index
      %swap3A_559 = tpu.vector_load %arg10[%swap3A_557, %swap3A_558] {strides = array<i32>} : memref<80x128xf32, #tpu.memory_space<vmem>>, vector<1x16xf32>,
      %swap3A_560 = vector.shape_cast %swap3A_559 : vector<1x16xf32> to vector<16xf32>
      %swap3A_561 = vector.shape_cast %mul3A_556 : vector<16xf32> to vector<1x16xf32>
      tpu.vector_store %arg10[%swap3A_557, %swap3A_558], %swap3A_561 {strides = array<i32>} : memref<80x128xf32, #tpu.memory_space<vmem>>, vector<1x16xf32>,
      %get3A_562 = arith.index_cast %add3A_365 : i32 to index
      %get3A_563 = arith.constant 96 : index
      %get3A_564 = tpu.vector_load %arg10[%get3A_562, %get3A_563] {strides = array<i32>} : memref<80x128xf32, #tpu.memory_space<vmem>>, vector<1x16xf32>,
      %get3A_565 = vector.shape_cast %get3A_564 : vector<1x16xf32> to vector<16xf32>
      %get3A_566 = arith.index_cast %add3A_365 : i32 to index
      %get3A_567 = arith.constant 96 : index
      %get3A_568 = tpu.vector_load %arg12[%get3A_566, %get3A_567] {strides = array<i32>} : memref<80x128xf32, #tpu.memory_space<vmem>>, vector<1x16xf32>,
      %get3A_569 = vector.shape_cast %get3A_568 : vector<1x16xf32> to vector<16xf32>
      %mul3A_570 = arith.mulf %get3A_565, %get3A_569 : vector<16xf32>
      %swap3A_571 = arith.index_cast %add3A_365 : i32 to index
      %swap3A_572 = arith.constant 96 : index
      %swap3A_573 = tpu.vector_load %arg10[%swap3A_571, %swap3A_572] {strides = array<i32>} : memref<80x128xf32, #tpu.memory_space<vmem>>, vector<1x16xf32>,
      %swap3A_574 = vector.shape_cast %swap3A_573 : vector<1x16xf32> to vector<16xf32>
      %swap3A_575 = vector.shape_cast %mul3A_570 : vector<16xf32> to vector<1x16xf32>
      tpu.vector_store %arg10[%swap3A_571, %swap3A_572], %swap3A_575 {strides = array<i32>} : memref<80x128xf32, #tpu.memory_space<vmem>>, vector<1x16xf32>,
      %get3A_576 = arith.index_cast %add3A_365 : i32 to index
      %get3A_577 = arith.constant 112 : index
      %get3A_578 = tpu.vector_load %arg10[%get3A_576, %get3A_577] {strides = array<i32>} : memref<80x128xf32, #tpu.memory_space<vmem>>, vector<1x16xf32>,
      %get3A_579 = vector.shape_cast %get3A_578 : vector<1x16xf32> to vector<16xf32>
      %get3A_580 = arith.index_cast %add3A_365 : i32 to index
      %get3A_581 = arith.constant 112 : index
      %get3A_582 = tpu.vector_load %arg12[%get3A_580, %get3A_581] {strides = array<i32>} : memref<80x128xf32, #tpu.memory_space<vmem>>, vector<1x16xf32>,
      %get3A_583 = vector.shape_cast %get3A_582 : vector<1x16xf32> to vector<16xf32>
      %mul3A_584 = arith.mulf %get3A_579, %get3A_583 : vector<16xf32>
      %swap3A_585 = arith.index_cast %add3A_365 : i32 to index
      %swap3A_586 = arith.constant 112 : index
      %swap3A_587 = tpu.vector_load %arg10[%swap3A_585, %swap3A_586] {strides = array<i32>} : memref<80x128xf32, #tpu.memory_space<vmem>>, vector<1x16xf32>,
      %swap3A_588 = vector.shape_cast %swap3A_587 : vector<1x16xf32> to vector<16xf32>
      %swap3A_589 = vector.shape_cast %mul3A_584 : vector<16xf32> to vector<1x16xf32>
      tpu.vector_store %arg10[%swap3A_585, %swap3A_586], %swap3A_589 {strides = array<i32>} : memref<80x128xf32, #tpu.memory_space<vmem>>, vector<1x16xf32>,
    }
    %scan3A_345 = arith.constant 40 : i32
    %dma_start3A_346 = arith.constant 0 : i32
    %dma_start3A_347 = arith.constant 0 : i32
    %dma_start3A_348 = tpu.memref_slice %arg8[%dma_start3A_346, %dma_start3A_347] : memref<1x80xi32, #tpu.memory_space<vmem>> -> memref<1x80xi32, #tpu.memory_space<vmem>>
    %dma_start3A_349 = tpu.memref_squeeze %dma_start3A_348 : memref<1x80xi32, #tpu.memory_space<vmem>> -> memref<80xi32, #tpu.memory_space<vmem>>
    %dma_start3A_350 = arith.constant 0 : i32
    %dma_start3A_351 = arith.constant 0 : i32
    %dma_start3A_352 = tpu.memref_slice %arg14[%dma_start3A_350, %dma_start3A_351] : memref<10240x128xf32, #tpu.memory_space<vmem_shared>> -> memref<10240x128xf32, #tpu.memory_space<vmem_shared>>
    tpu.enqueue_indirect_dma source(%arg10 : memref<80x128xf32, #tpu.memory_space<vmem>>) target(%dma_start3A_352 : memref<10240x128xf32, #tpu.memory_space<vmem_shared>>) offsets(%dma_start3A_349 : memref<80xi32, #tpu.memory_space<vmem>>) semaphore(%arg19 : memref<!tpu.dma_semaphore, #tpu.memory_space<semaphore_mem>>) {add = true}
    %dma_wait3A_353 = arith.constant 0 : i32
    %dma_wait3A_354 = arith.constant 0 : i32
    %dma_wait3A_355 = tpu.memref_slice %arg8[%dma_wait3A_353, %dma_wait3A_354] : memref<1x80xi32, #tpu.memory_space<vmem>> -> memref<1x80xi32, #tpu.memory_space<vmem>>
    %dma_wait3A_356 = tpu.memref_squeeze %dma_wait3A_355 : memref<1x80xi32, #tpu.memory_space<vmem>> -> memref<80xi32, #tpu.memory_space<vmem>>
    %dma_wait3A_357 = arith.constant 0 : i32
    %dma_wait3A_358 = arith.constant 0 : i32
    %dma_wait3A_359 = tpu.memref_slice %arg14[%dma_wait3A_357, %dma_wait3A_358] : memref<10240x128xf32, #tpu.memory_space<vmem_shared>> -> memref<10240x128xf32, #tpu.memory_space<vmem_shared>>
    tpu.wait_indirect_dma semaphore(%arg19 : memref<!tpu.dma_semaphore, #tpu.memory_space<semaphore_mem>>) src(%arg10 : memref<80x128xf32, #tpu.memory_space<vmem>>) dst(%dma_wait3A_359 : memref<10240x128xf32, #tpu.memory_space<vmem_shared>>)
    %barrier3A_360 = arith.constant 0 : index
    tpu.barrier barrier_id(%barrier3A_360)
    "tpu.region"() ({
      %run_scoped3A = tpu.sem_alloc : memref<!tpu.dma_semaphore, #tpu.memory_space<semaphore_mem>>
      %dma_start3A_361 = arith.constant 0 : i32
      %dma_start3A_362 = arith.constant 0 : i32
      %dma_start3A_363 = tpu.memref_slice %arg5[%arg0, %dma_start3A_361, %dma_start3A_362] : memref<2x10240x128xf32, #tpu.memory_space<hbm>> -> memref<1x10240x128xf32, #tpu.memory_space<hbm>>
      %dma_start3A_364 = tpu.memref_squeeze %dma_start3A_363 : memref<1x10240x128xf32, #tpu.memory_space<hbm>> -> memref<10240x128xf32, #tpu.memory_space<hbm>>
      %dma_start3A_365 = arith.constant 0 : i32
      %dma_start3A_366 = tpu.memref_slice %dma_start3A_364[%mul3A_106, %dma_start3A_365] : memref<10240x128xf32, #tpu.memory_space<hbm>> -> memref<640x128xf32, #tpu.memory_space<hbm>>
      %dma_start3A_367 = arith.constant 0 : i32
      %dma_start3A_368 = tpu.memref_slice %arg14[%mul3A_106, %dma_start3A_367] : memref<10240x128xf32, #tpu.memory_space<vmem_shared>> -> memref<640x128xf32, #tpu.memory_space<vmem_shared>>
      tpu.enqueue_dma source(%dma_start3A_368 : memref<640x128xf32, #tpu.memory_space<vmem_shared>>) target(%dma_start3A_366 : memref<640x128xf32, #tpu.memory_space<hbm>>) target_semaphore(%run_scoped3A : memref<!tpu.dma_semaphore, #tpu.memory_space<semaphore_mem>>)
      %dma_wait3A_369 = arith.constant 0 : i32
      %dma_wait3A_370 = arith.constant 0 : i32
      %dma_wait3A_371 = tpu.memref_slice %arg5[%arg0, %dma_wait3A_369, %dma_wait3A_370] : memref<2x10240x128xf32, #tpu.memory_space<hbm>> -> memref<1x10240x128xf32, #tpu.memory_space<hbm>>
      %dma_wait3A_372 = tpu.memref_squeeze %dma_wait3A_371 : memref<1x10240x128xf32, #tpu.memory_space<hbm>> -> memref<10240x128xf32, #tpu.memory_space<hbm>>
      %dma_wait3A_373 = arith.constant 0 : i32
      %dma_wait3A_374 = tpu.memref_slice %dma_wait3A_372[%mul3A_106, %dma_wait3A_373] : memref<10240x128xf32, #tpu.memory_space<hbm>> -> memref<640x128xf32, #tpu.memory_space<hbm>>
      %dma_wait3A_375 = arith.constant 0 : i32
      %dma_wait3A_376 = tpu.memref_slice %arg14[%mul3A_106, %dma_wait3A_375] : memref<10240x128xf32, #tpu.memory_space<vmem_shared>> -> memref<640x128xf32, #tpu.memory_space<vmem_shared>>
      tpu.wait_dma2 semaphore(%run_scoped3A : memref<!tpu.dma_semaphore, #tpu.memory_space<semaphore_mem>>) src(%dma_wait3A_376 : memref<640x128xf32, #tpu.memory_space<vmem_shared>>) dst(%dma_wait3A_374 : memref<640x128xf32, #tpu.memory_space<hbm>>)
      tpu.yield
    }) : () -> ()
    return
  }
}

module attributes {stable_mosaic.version = 14 : i64} {
  func.func @body(%arg0: i32, %arg1: memref<1000x128xf32, #tpu.memory_space<vmem>>, %arg2: memref<1000x128xf32, #tpu.memory_space<vmem>>, %arg3: memref<1000x128xf32, #tpu.memory_space<vmem>>) attributes {dimension_semantics = [#tpu.dimension_semantics<arbitrary>], iteration_bounds = array<i64: 10>, scalar_prefetch = 0 : i64, scratch_operands = 0 : i64, tpu.core_type = #tpu.core_type<tc>, window_params = [{transform_indices = @transform_0, window_bounds = array<i64: 1000, 128>}, {transform_indices = @transform_1, window_bounds = array<i64: 1000, 128>}, {transform_indices = @transform_2, window_bounds = array<i64: 1000, 128>}]} {
    %get3A = arith.constant 0 : index
    %get3A_0 = arith.constant 0 : index
    %get3A_1 = vector.load %arg1[%get3A, %get3A_0] : memref<1000x128xf32, #tpu.memory_space<vmem>>, vector<1000x128xf32>
    %get3A_2 = arith.constant 0 : index
    %get3A_3 = arith.constant 0 : index
    %get3A_4 = vector.load %arg2[%get3A_2, %get3A_3] : memref<1000x128xf32, #tpu.memory_space<vmem>>, vector<1000x128xf32>
    %add3A = arith.addf %get3A_1, %get3A_4 : vector<1000x128xf32>
    %swap3A = arith.constant 0 : index
    %swap3A_5 = arith.constant 0 : index
    %swap3A_6 = vector.load %arg3[%swap3A, %swap3A_5] : memref<1000x128xf32, #tpu.memory_space<vmem>>, vector<1000x128xf32>
    tpu.vector_store %arg3[%swap3A, %swap3A_5], %add3A {strides = array<i32>} : memref<1000x128xf32, #tpu.memory_space<vmem>>, vector<1000x128xf32>,
    return
  }
  func.func @transform_0(%arg0: i32) -> (i32, i32) {
    %c0_i32 = arith.constant 0 : i32
    %c0_i32_0 = arith.constant 0 : i32
    return %arg0, %c0_i32 : i32, i32
  }
  func.func @transform_1(%arg0: i32) -> (i32, i32) {
    %c0_i32 = arith.constant 0 : i32
    %c0_i32_0 = arith.constant 0 : i32
    return %arg0, %c0_i32 : i32, i32
  }
  func.func @transform_2(%arg0: i32) -> (i32, i32) {
    %c0_i32 = arith.constant 0 : i32
    %c0_i32_0 = arith.constant 0 : i32
    return %arg0, %c0_i32 : i32, i32
  }
}

</mosaic_0001>

<sc_bundles>
// kernel: kernel.4.cloned.1.call-start
scs
__scs_entry_jumppad:
0x0: {  	(pc) =	sbr.rel $0x88, $3  }
0x1: {  	(tag) =	ssettag $0x0;
	lr =	simm.s32 $0x1  }
0x2: {  	[smem:$0x3F9D] =	sst lr;
	_ =	strace $0xD0000000  }
0x3: {  	_ = 	snop  }
0x4: {  	_ = 	snop  }
0x5: {  	_ = 	snop  }
0x6: {  	_ = 	snop  }
0x7: {  	_ = 	snop  }
__scs_overlays_trampoline_lowered:
0x8: {  	[smem:$0x3FAC] =	sst s0  }
0x9: {  	[smem:$0x3FAD] =	sst s1  }
0xa: {  	[smem:$0x3FAE] =	sst s2  }
0xb: {  	[smem:$0x3FAF] =	sst s3  }
0xc: {  	[smem:$0x3FB0] =	sst s4  }
0xd: {  	[smem:$0x3FB1] =	sst s5  }
0xe: {  	[smem:$0x3FB2] =	sst s6  }
0xf: {  	[smem:$0x3FB3] =	sst s7  }
0x10: {  	[smem:$0x3FB4] =	sst s8  }
0x11: {  	[smem:$0x3FB5] =	sst s9;
	s0 =	simm.s32 @!p0 $0x0  }
0x12: {  	s1 =	sld [smem:$0x3F9B];
	s0 =	simm.s32 @p0 $0x1  }
0x13: {  	[smem:$0x3FB6] =	sst s0;
	s0 =	simm.s32 @!p1 $0x0  }
0x14: {  	s2 =	sld [smem:$0x3F9A];
	s0 =	simm.s32 @p1 $0x1  }
0x15: {  	[smem:$0x3FB7] =	sst s0;
	s0 =	simm.s32 @!p2 $0x0  }
0x16: {  	s3 =	sld [smem:$0x3FDB];
	s0 =	simm.s32 @p2 $0x1  }
0x17: {  	s4 =	simm.s32 $0x1BF5;
	[smem:$0x3FB9] =	sst s0  }
0x18: {  	s0 =	sld [smem:$0x3F9C];
	_ =	swait.ge [sflag:s4], $0x0  }
0x19: {  	s7 =	sld [smem:$0x3F9D]  }
0x1a: {  	s8 =	sadd.s32 $0xFFFFE003, lr  }
0x1b: {  	s9 =	sadd.s32 $0xFFFFFEF7, lr;
	s5 =	simm.s32 $0xFFFFFFFF;
	p2 =	slt.u32 s8, $0xFFFFF086  }
0x1c: {  	p1 =	slt.u32 s9, $0xF7A;
	s5 =	simm.s32 @!p2 $0x0  }
0x1d: {  	s5 =	simm.s32 @p1 $0x1;
	p0 =	seq.s32 s7, s2  }
0x1e: {  	s7 =	smul.u32 @!p0 $0xF7A, s2;
	p2 =	seq.s32 @!p0 s5, $0x0  }
0x1f: {  	s9 =	smul.u32 $0xF7A, s1;
	s8 =	simm.s32 @!p0 $0x1BF5;
	p2 =	por !p2, p0  }
0x20: {  	[sflag:s8] =	ssyncset.s32 @!p0 $0xFFFFF086;
	s6 =	sadd.s32 @!p0 s3, s7;
	s7 =	simm.s32 @!p0 $0x108  }
0x21: {  	s3 =	sadd.s32 s3, s9;
	s6 =	sadd.s32 @!p0 $0x88, s6;
	s7 =	simm.s32 @p2 $0x1082  }
0x22: {  	[simem:s7], [sflag:s8] =	dma.local @!p0 [hbm:s6], $0xF7A  }
0x23: {  	s9 =	sor.u32 $0xD0000000, s2;
	s6 =	simm.s32 $0x108;
	_ =	swait.ge @!p0 [sflag:s8], $0x0  }
0x24: {  	s3 =	sadd.s32 $0x88, s3;
	s6 =	simm.s32 @!p1 $0x1082;
	[sflag:s4] =	ssyncset.s32 $0xFFFFF086  }
0x25: {  	[simem:s6], [sflag:s4] =	dma.local [hbm:s3], $0xF7A  }
0x26: {  	[smem:$0x3F9D] =	sst s1;
	(tag) =	ssettag s2;
	_ =	strace s9  }
0x27: {  	s1 =	sld [smem:$0x3FAD]  }
0x28: {  	s2 =	sld [smem:$0x3FAE]  }
0x29: {  	s4 =	sld [smem:$0x3FB0]  }
0x2a: {  	p0 =	seq.s32 s5, $0x0;
	s5 =	sld [smem:$0x3FB1]  }
0x2b: {  	s6 =	sld [smem:$0x3FB2]  }
0x2c: {  	s7 =	sld [smem:$0x3FB3]  }
0x2d: {  	s3 =	simm.s32 $0x108;
	s8 =	sld [smem:$0x3FB4]  }
0x2e: {  	s3 =	simm.s32 @!p0 $0x1082;
	s9 =	sld [smem:$0x3FB5]  }
0x2f: {  	lr =	sadd.s32 s0, s3;
	s0 =	sld [smem:$0x3FAC]  }
0x30: {  	s3 =	sld [smem:$0x3FAF]  }
0x31: {  	[smem:$0x3FB8] =	sst s10  }
0x32: {  	s10 =	sld [smem:$0x3FB6];
	_ =	sdelay $0x3  }
0x33: {  	p0 =	seq.s32 s10, $0x1;
	s10 =	sld [smem:$0x3FB8];
	_ =	sdelay $0x3  }
0x34: {  	[smem:$0x3FB8] =	sst s10  }
0x35: {  	s10 =	sld [smem:$0x3FB7];
	_ =	sdelay $0x3  }
0x36: {  	p1 =	seq.s32 s10, $0x1;
	s10 =	sld [smem:$0x3FB8];
	_ =	sdelay $0x3  }
0x37: {  	[smem:$0x3FB8] =	sst s10  }
0x38: {  	s10 =	sld [smem:$0x3FB9]  }
0x39: {  	_ = 	snop;
	(pc) =	sbr.ind lr, $3  }
0x3a: {  	_ = 	snop  }
0x3b: {  	_ = 	snop  }
0x3c: {  	p2 =	seq.s32 s10, $0x1;
	s10 =	sld [smem:$0x3FB8]  }
0x3d: {  	_ =	shalt  }
0x3e: {  	_ =	shalt  }
0x3f: {  	_ =	shalt  }
0x40: {  	_ =	shalt  }
0x41: {  	_ =	shalt  }
0x42: {  	_ =	shalt  }
0x43: {  	_ =	shalt  }
0x44: {  	_ =	shalt  }
0x45: {  	_ =	shalt  }
0x46: {  	_ =	shalt  }
0x47: {  	_ =	shalt  }
0x48: {  	_ =	shalt  }
0x49: {  	_ =	shalt  }
0x4a: {  	_ =	shalt  }
0x4b: {  	_ =	shalt  }
0x4c: {  	_ =	shalt  }
0x4d: {  	_ =	shalt  }
0x4e: {  	_ =	shalt  }
0x4f: {  	_ =	shalt  }
0x50: {  	_ =	shalt  }
0x51: {  	_ =	shalt  }
0x52: {  	_ =	shalt  }
0x53: {  	_ =	shalt  }
0x54: {  	_ =	shalt  }
0x55: {  	_ =	shalt  }
0x56: {  	_ =	shalt  }
0x57: {  	_ =	shalt  }
0x58: {  	_ =	shalt  }
0x59: {  	_ =	shalt  }
0x5a: {  	_ =	shalt  }
0x5b: {  	_ =	shalt  }
0x5c: {  	_ =	shalt  }
0x5d: {  	_ =	shalt  }
0x5e: {  	_ =	shalt  }
0x5f: {  	_ =	shalt  }
0x60: {  	_ =	shalt  }
0x61: {  	_ =	shalt  }
0x62: {  	_ =	shalt  }
0x63: {  	_ =	shalt  }
0x64: {  	_ =	shalt  }
0x65: {  	_ =	shalt  }
0x66: {  	_ =	shalt  }
0x67: {  	_ =	shalt  }
0x68: {  	_ =	shalt  }
0x69: {  	_ =	shalt  }
0x6a: {  	_ =	shalt  }
0x6b: {  	_ =	shalt  }
0x6c: {  	_ =	shalt  }
0x6d: {  	_ =	shalt  }
0x6e: {  	_ =	shalt  }
0x6f: {  	_ =	shalt  }
0x70: {  	_ =	shalt  }
0x71: {  	_ =	shalt  }
0x72: {  	_ =	shalt  }
0x73: {  	_ =	shalt  }
0x74: {  	_ =	shalt  }
0x75: {  	_ =	shalt  }
0x76: {  	_ =	shalt  }
0x77: {  	_ =	shalt  }
0x78: {  	_ =	shalt  }
0x79: {  	_ =	shalt  }
0x7a: {  	_ =	shalt  }
0x7b: {  	_ =	shalt  }
0x7c: {  	_ =	shalt  }
0x7d: {  	_ =	shalt  }
0x7e: {  	_ =	shalt  }
0x7f: {  	_ =	shalt  }
0x80: {  	_ =	shalt  }
0x81: {  	_ =	shalt  }
0x82: {  	_ =	shalt  }
0x83: {  	_ =	shalt  }
0x84: {  	_ =	shalt  }
0x85: {  	_ =	shalt  }
0x86: {  	_ =	shalt  }
0x87: {  	_ =	shalt  }
.Lfunc_end0:
.L_simem_size_0:
called_computation_lowered:
.L_overlay_start_0:
0x88: {  	s2 =	sld [smem:$0x3FD9]  }
0x89: {  	s3 =	sld [smem:$0x3FFE];
	_ =	sdelay $0x1  }
0x8a: {  	s1 =	srdreg.scid  }
0x8b: {  	s0 =	sand.u32 $0x1, s1  }
0x8c: {  	s17 =	sshll.u32 s0, $0xA;
	s2 =	sadd.s32 s3, s2  }
0x8d: {  	s2 =	sadd.s32 s2, s17  }
0x8e: {  	[smem:$0x3FC4] =	sst s2  }
0x8f: {  	_ = 	snop  }
0x90: {  	s2 =	sld [smem:$0x3FC9]  }
0x91: {  	s18 =	sld [smem:$0x3FC8]  }
0x92: {  	s4 =	sld [smem:$0x3FD0];
	(tm) =	ssettm $0x1  }
0x93: {  	s5 =	sld [smem:$0x3FFB];
	_ =	sdelay $0x3  }
0x94: {  	_ =	strace s5  }
0x95: {  	s5 =	sld [smem:$0x3FFC];
	_ =	sdelay $0x3  }
0x96: {  	_ =	strace s5  }
0x97: {  	s5 =	sld [smem:$0x3FFD];
	_ =	sdelay $0x3  }
0x98: {  	_ =	strace s5  }
0x99: {  	_ =	strace $0x8FFFFFFF  }
0x9a: {  	s19 =	sld [smem:$0x3FDB];
	_ =	sdelay $0x1  }
0x9b: {  	s6 =	simm.s32 $_scs_section_size  }
0x9c: {  	s7 =	simm.s32 $_size__tile_overlayer_lowered;
	s8 =	simm.s32 $_tile_overlayer_lowered  }
0x9d: {  	s22 =	simm.s32 $0x1BFF;
	s21 =	sshll.u32 s8, $0x1;
	s5 =	sadd.s32 s6, s19  }
0x9e: {  	s9 =	simm.s32 $0x0;
	s20 =	sshll.u32 s7, $0x1;
	s7 =	sadd.s32 s21, s5  }
0x9f: {  	[timem:s9], [sflag:s22] =	dma.local [hbm:s7], s20  }
0xa0: {  	_ =	swait.ge [sflag:s22], s20  }
0xa1: {  	s6 =	ssub.s32 $0x0, s20;
	[sflag:s22] =	ssyncset.done $0x0  }
0xa2: {  	[sflag:s22] =	ssyncadd.s32 s6;
	_ =	sdelay $0x1  }
0xa3: {  	s23 =	simm.s32 $0x1B8B  }
0xa4: {  	_ =	swait.ge [sflag:s23], $0x1  }
0xa5: {  	[sflag:s23] =	ssyncset.done $0x0  }
0xa6: {  	s25 =	simm.s32 $0x1B8E;
	s24 =	sld [smem:$0x3FFE];
	[sflag:s23] =	ssyncadd.s32 $0xFFFFFFFF  }
0xa7: {  	s26 =	simm.s32 $execute0_lowered;
	[smem:$0x3FD2] =	sst s25  }
0xa8: {  	s7 =	sshll.u32 s26, $0x1;
	_ =	strace $0x80000046;
	[dreg:$0x1] =	wrdreg $0xFFFFFFFF  }
0xa9: {  	s28 =	simm.s32 $_size_execute0_lowered;
	s5 =	sadd.s32 s5, s7;
	[dreg:$0x0] =	wrdreg $0x0  }
0xaa: {  	s7 =	sshll.u32 s28, $0x1;
	[dreg:$0x2] =	wrdreg s5  }
0xab: {  	[dreg:$0x3] =	wrdreg s7  }
0xac: {  	[dreg:$0x4] =	wrdreg $0xC0  }
0xad: {  	_ =	task [dreg:s9], $0x5FFFF  }
0xae: {  	[dreg:$0x1] =	wrdreg $0xFFFFFFFF  }
0xaf: {  	[dreg:$0x0] =	wrdreg $0x60  }
0xb0: {  	[dreg:$0x2] =	wrdreg s2  }
0xb1: {  	[dreg:$0x3] =	wrdreg s18  }
0xb2: {  	[dreg:$0x4] =	wrdreg s4  }
0xb3: {  	[dreg:$0x5] =	wrdreg s24  }
0xb4: {  	[dreg:$0x6] =	wrdreg $0xA3000  }
0xb5: {  	[dreg:$0x7] =	wrdreg $0x9  }
0xb6: {  	_ =	task.clear_ibuf [dreg:s9], $0x8FFFF;
	_ =	strace $0x90000046  }
0xb7: {  	s29 =	simm.s32 $0x9;
	_ =	strace $0x80000048  }
0xb8: {  	_ =	swait.ge [sflag:s29], $0x1  }
0xb9: {  	[sflag:s29] =	ssyncadd.s32 $0xFFFFFFFF  }
0xba: {  	_ =	strace $0x90000048  }
0xbb: {  	_ =	sfence  }
0xbc: {  	s30 =	sld [smem:$0x0];
	_ =	sdelay $0x2  }
0xbd: {  	s31 =	sshll.u32 s1, $0xD;
	s1 =	sshrl.u32 s1, $0x2  }
0xbe: {  	s3 =	sand.u32 $0x4000, s31;
	s1 =	sadd.s32 s1, s30  }
0xbf: {  	s0 =	sor.u32 s3, s0;
	s1 =	sshll.u32 s1, $0x11  }
0xc0: {  	s0 =	sor.u32 s1, s0  }
0xc1: {  	s0 =	sadd.s32 $0x8F2B, s0  }
0xc2: {  	[sflag:s0] =	ssyncadd.remote.s32 $0x1  }
0xc3: {  	_ =	sfence.sel $0xFFFF  }
0xc4: {  	[dreg:$0x0] =	wrdreg $0xFFFFFFFF;
	(pc) =	sbr.abs _section_cstart, $3  }
0xc5: {  	[dreg:$0x1] =	wrdreg $0xFFFFFFFF  }
0xc6: {  	_ =	task.clear_ibuf [dreg:s9], $0x2FFFF;
	_ =	strace $0x9FFFFFFF  }
0xc7: {  	(tm) =	ssettm $0x7FFFFFFF  }
tec
execute0_lowered:
.L_overlay_start_1:
0x0: {  	(tag) =	ssettag $0x1  }
0x1: {  	s0 =	rddreg [dreg:$0x0]  }
0x2: {  	s1 =	rddreg [dreg:$0x1]  }
0x3: {  	s2 =	rddreg [dreg:$0x2]  }
0x4: {  	s3 =	srdreg.scid;
	s4 =	rddreg [dreg:$0x3]  }
0x5: {  	s5 =	rddreg [dreg:$0x4];
	s13 =	stileid.u32  }
0x6: {  	s28 =	simm.s32 $0x200;
	s29 =	simm.s32 $0x280;
	s11 =	smul.u32 $0x50000, s13  }
0x7: {  	s30 =	simm.s32 $0x2B00;
	s3 =	sand.u32 $0x1, s3;
	s25 =	smul.u32 $0x2800, s13  }
0x8: {  	s31 =	simm.s32 $0x3;
	s6 =	sshll.u32 s3, $0x4;
	s7 =	smul.u32 $0x28000, s3  }
0x9: {  	s3 =	ssub.s32 $0x2, s3;
	s8 =	sor.u32 s13, s6;
	s6 =	simm.s32 $0x0  }
0xa: {  	s10 =	sshrl.u32 s3, $0x1;
	s14 =	sshrl.u32 s11, $0x2;
	s11 =	simm.s32 $0x180  }
0xb: {  	s13 =	simm.s32 $0x2;
	s9 =	smul.u32 $0x7D00, s8;
	[smem:$0x7FF] =	sst s6  }
0xc: {  	s4 =	sadd.s32 s7, s4;
	s26 =	smul.u32 $0xFA0, s8;
	s7 =	sadd.s32 s14, s5  }
0xd: {  	s3 =	ssub.s32 s3, s10;
	s15 =	smul.u32 $0x7D, s8;
	s18 =	sadd.s32 $0x2800, s7  }
0xe: {  	_ =	strace $0x80000047;
	s19 =	sadd.s32 $0x5000, s7;
	[dreg:$0x8] =	wrdreg s18  }
0xf: {  	s8 =	smul.u32 $0x27100, s8;
	s20 =	sadd.s32 $0x7800, s7;
	[dreg:$0x9] =	wrdreg s19  }
0x10: {  	s10 =	simm.s32 $0x6;
	s21 =	sadd.s32 $0xA000, s7;
	[dreg:$0xa] =	wrdreg s20  }
0x11: {  	s22 =	sadd.s32 $0xC800, s7;
	s23 =	sadd.s32 $0xF000, s7;
	[dreg:$0xb] =	wrdreg s21  }
0x12: {  	s24 =	sadd.s32 $0x11800, s7;
	s4 =	sadd.s32 $0x800, s4;
	[dreg:$0xc] =	wrdreg s22  }
0x13: {  	s3 =	smax.u32 s3, $0x1;
	s12 =	sshrl.u32 s9, $0x3;
	[dreg:$0xd] =	wrdreg s23  }
0x14: {  	s16 =	sadd.s32 s2, s26;
	[dreg:$0xe] =	wrdreg s24;
	s8 =	sadd.s32 s1, s8  }
0x15: {  	s18 =	sadd.s32 $0x1, s15;
	s19 =	sadd.s32 $0x3, s15;
	[dreg:$0x10] =	wrdreg s3  }
0x16: {  	s21 =	sadd.s32 $0x2, s15;
	s22 =	simm.s32 $0x100;
	s23 =	simm.s32 $0x300  }
0x17: {  	s26 =	sadd.s32 s25, s4;
	s25 =	simm.s32 $0x1;
	s3 =	simm.s32 $0x5  }
0x18: {  	s4 =	simm.s32 $0x80;
	s9 =	simm.s32 $0x4;
	[dreg:$0x6] =	wrdreg s16  }
0x19: {  	s15 =	simm.s32 $0x0;
	s12 =	sadd.s32 s2, s12;
	[dreg:$0xf] =	wrdreg s8  }
0x1a: {  	[dreg:$0x11] =	wrdreg s26;
	s26 =	simm.s32 $0x50;
	s17 =	sadd.s32 $0x20, s12  }
0x1b: {  	v0 =	vimm.f32 $0.0e+00;
	v1 =	vimm.s32 $0x0;
	s8 =	simm.s32 $0x5300;
	s12 =	simm.s32 $0x7B00;
	[dreg:$0x7] =	wrdreg s17  }
.LBB2_1:
0x1c: {  	s14 =	rddreg [dreg:$0x6]  }
0x1d: {  	[tilespmem:s6], [sflag:$0x3] =	stream.linear.gather [hbm4b:s14+s6], $0x100, $0x38;
	[tilespmem:$0x1E300] =	vst v63  }
0x1e: {  	s24 =	rddreg [dreg:$0x7];
	s16 =	simm.s32 $0x0;
	s17 =	simm.s32 $0x200  }
0x1f: {  	[tilespmem:s22], [sflag:$0x4] =	stream.linear.gather [hbm4b:s24+s6], $0x100, $0x38;
	[tilespmem:$0x1E300] =	vst v63  }
.LBB2_2:
0x20: {  	p0 =	sne.s32 s17, $0x9E00;
	[tilespmem:s16+$0x2B70] =	vst v0  }
0x21: {  	[tilespmem:s16+$0x300] =	vst v0  }
0x22: {  	[tilespmem:s16+$0x2B00] =	vst v0  }
0x23: {  	[tilespmem:s16+$0x310] =	vst v0  }
0x24: {  	[tilespmem:s16+$0x2B10] =	vst v0  }
0x25: {  	[tilespmem:s16+$0x320] =	vst v0  }
0x26: {  	[tilespmem:s16+$0x2B20] =	vst v0  }
0x27: {  	[tilespmem:s16+$0x330] =	vst v0  }
0x28: {  	[tilespmem:s16+$0x2B30] =	vst v0  }
0x29: {  	[tilespmem:s16+$0x340] =	vst v0  }
0x2a: {  	[tilespmem:s16+$0x2B40] =	vst v0  }
.Ltmp0:
0x2b: {  	[tilespmem:s16+$0x350] =	vst v0;
	(pc) =	sbr.rel @p0 .LBB2_2-.Ltmp0, $4  }
0x2c: {  	[tilespmem:s16+$0x2B50] =	vst v0  }
0x2d: {  	[tilespmem:s16+$0x360] =	vst v0  }
0x2e: {  	[tilespmem:s16+$0x2B60] =	vst v0  }
0x2f: {  	[tilespmem:s16+$0x370] =	vst v0;
	s16 =	sshra.s32 s17, $0x2;
	s17 =	sadd.s32 $0x200, s17  }
0x30: {  	[tilespmem:s16+$0x2B70] =	vst v0  }
0x31: {  	[tilespmem:s16+$0x300] =	vst v0  }
0x32: {  	[tilespmem:s16+$0x2B00] =	vst v0  }
0x33: {  	[tilespmem:s16+$0x310] =	vst v0  }
0x34: {  	[tilespmem:s16+$0x2B10] =	vst v0  }
0x35: {  	[tilespmem:s16+$0x320] =	vst v0  }
0x36: {  	[tilespmem:s16+$0x2B20] =	vst v0  }
0x37: {  	[tilespmem:s16+$0x330] =	vst v0  }
0x38: {  	[tilespmem:s16+$0x2B30] =	vst v0  }
0x39: {  	[tilespmem:s16+$0x340] =	vst v0  }
0x3a: {  	[tilespmem:s16+$0x2B40] =	vst v0  }
0x3b: {  	[tilespmem:s16+$0x350] =	vst v0  }
0x3c: {  	[tilespmem:s16+$0x2B50] =	vst v0  }
0x3d: {  	[tilespmem:s16+$0x360] =	vst v0  }
0x3e: {  	[tilespmem:s16+$0x2B60] =	vst v0  }
0x3f: {  	[tilespmem:s16+$0x370] =	vst v0  }
0x40: {  	[tilespmem:$0x200] =	vst v1  }
0x41: {  	[tilespmem:$0x210] =	vst v1  }
0x42: {  	[tilespmem:$0x220] =	vst v1  }
0x43: {  	[tilespmem:$0x230] =	vst v1  }
0x44: {  	[tilespmem:$0x240] =	vst v1  }
0x45: {  	[tilespmem:$0x280] =	vst v1  }
0x46: {  	[tilespmem:$0x290] =	vst v1  }
0x47: {  	[tilespmem:$0x2A0] =	vst v1  }
0x48: {  	[tilespmem:$0x2B0] =	vst v1  }
0x49: {  	[tilespmem:$0x2C0] =	vst v1  }
0x4a: {  	[spmem:s7] =	stream.linear.scatter [tilespmem:s23], [sflag:$0x1], $0x2800, $0x38;
	[tilespmem:$0x1E300] =	vst v63  }
0x4b: {  	s14 =	rddreg [dreg:$0x8]  }
0x4c: {  	[spmem:s14] =	stream.linear.scatter [tilespmem:s23], [sflag:$0x1], $0x2800, $0x38;
	[tilespmem:$0x1E300] =	vst v63  }
0x4d: {  	s17 =	rddreg [dreg:$0x9]  }
0x4e: {  	[spmem:s17] =	stream.linear.scatter [tilespmem:s23], [sflag:$0x1], $0x2800, $0x38;
	[tilespmem:$0x1E300] =	vst v63  }
0x4f: {  	s20 =	rddreg [dreg:$0xa]  }
0x50: {  	[spmem:s20] =	stream.linear.scatter [tilespmem:s23], [sflag:$0x1], $0x2800, $0x38;
	[tilespmem:$0x1E300] =	vst v63  }
0x51: {  	s24 =	rddreg [dreg:$0xb]  }
0x52: {  	[spmem:s24] =	stream.linear.scatter [tilespmem:s23], [sflag:$0x1], $0x2800, $0x38;
	[tilespmem:$0x1E300] =	vst v63  }
0x53: {  	s16 =	rddreg [dreg:$0xc]  }
0x54: {  	[spmem:s16] =	stream.linear.scatter [tilespmem:s23], [sflag:$0x1], $0x2800, $0x38;
	[tilespmem:$0x1E300] =	vst v63  }
0x55: {  	s17 =	rddreg [dreg:$0xd]  }
0x56: {  	[spmem:s17] =	stream.linear.scatter [tilespmem:s23], [sflag:$0x1], $0x2800, $0x38;
	[tilespmem:$0x1E300] =	vst v63  }
0x57: {  	s20 =	rddreg [dreg:$0xe]  }
0x58: {  	[spmem:s20] =	stream.linear.scatter [tilespmem:s23], [sflag:$0x1], $0x2800, $0x38;
	[tilespmem:$0x1E300] =	vst v63  }
0x59: {  	_ =	swait.ge [sflag:s25], $0x2800  }
0x5a: {  	[sflag:s25] =	ssyncset.done $0x0  }
0x5b: {  	[sflag:s25] =	ssyncadd.s32 $0xFFFFD800  }
0x5c: {  	_ =	swait.ge [sflag:s25], $0x2800  }
0x5d: {  	[sflag:s25] =	ssyncset.done $0x0  }
0x5e: {  	[sflag:s25] =	ssyncadd.s32 $0xFFFFD800  }
0x5f: {  	_ =	swait.ge [sflag:s25], $0x2800  }
0x60: {  	[sflag:s25] =	ssyncset.done $0x0  }
0x61: {  	[sflag:s25] =	ssyncadd.s32 $0xFFFFD800  }
0x62: {  	_ =	swait.ge [sflag:s25], $0x2800  }
0x63: {  	[sflag:s25] =	ssyncset.done $0x0  }
0x64: {  	[sflag:s25] =	ssyncadd.s32 $0xFFFFD800  }
0x65: {  	_ =	swait.ge [sflag:s25], $0x2800  }
0x66: {  	[sflag:s25] =	ssyncset.done $0x0  }
0x67: {  	[sflag:s25] =	ssyncadd.s32 $0xFFFFD800  }
0x68: {  	_ =	swait.ge [sflag:s25], $0x2800  }
0x69: {  	[sflag:s25] =	ssyncset.done $0x0  }
0x6a: {  	[sflag:s25] =	ssyncadd.s32 $0xFFFFD800  }
0x6b: {  	_ =	swait.ge [sflag:s25], $0x2800  }
0x6c: {  	[sflag:s25] =	ssyncset.done $0x0  }
0x6d: {  	[sflag:s25] =	ssyncadd.s32 $0xFFFFD800  }
0x6e: {  	_ =	swait.ge [sflag:s25], $0x2800  }
0x6f: {  	[sflag:s25] =	ssyncset.done $0x0  }
0x70: {  	[sflag:s25] =	ssyncadd.s32 $0xFFFFD800  }
0x71: {  	[bflag:$0x0] =	sbarrier.arrive $0xFFFF  }
0x72: {  	[spmem:s5] =	stream.indirect.scatter.add.f32 [tilespmem:s23], [sflag:$0x5], $0x80, s28, s26, $0xb8;
	[tilespmem:$0x1E300] =	vst v63  }
0x73: {  	_ = 	snop  }
0x74: {  	[spmem:s5] =	stream.indirect.scatter.add.f32 [tilespmem:s30], [sflag:$0x6], $0x80, s29, s26, $0xb8;
	[tilespmem:$0x1E300] =	vst v63  }
0x75: {  	_ =	swait.ge [sflag:s31], $0x100  }
0x76: {  	[sflag:s31] =	ssyncset.done $0x0  }
0x77: {  	[sflag:s31] =	ssyncadd.s32 $0xFFFFFF00  }
0x78: {  	_ =	swait.ge [sflag:s3], $0x2800  }
0x79: {  	[sflag:s3] =	ssyncset.done $0x0  }
0x7a: {  	[sflag:s3] =	ssyncadd.s32 $0xFFFFD800  }
0x7b: {  	[tilespmem:s23], [sflag:$0x1] =	stream.indirect.gather [hbm4b:s0+s26], $0x80, s4, s26, $0xb8;
	[tilespmem:$0x1E300] =	vst v63  }
0x7c: {  	s16 =	simm.s32 $0x0;
	s24 =	rddreg [dreg:$0xf]  }
0x7d: {  	[tilespmem:s8], [sflag:$0x1] =	stream.linear.gather [hbm4b:s24+s16], $0x2800, $0x38;
	[tilespmem:$0x1E300] =	vst v63  }
.LBB2_4:
0x7e: {  	_ =	swait.ge [sflag:s9], $0x100  }
0x7f: {  	[sflag:s9] =	ssyncset.done $0x0  }
0x80: {  	[sflag:s9] =	ssyncadd.s32 $0xFFFFFF00  }
0x81: {  	s17 =	sshll.u32 s16, $0x1;
	_ =	swait.ge [sflag:s10], $0x2800  }
0x82: {  	s20 =	sadd.s32 s17, s18;
	[sflag:s10] =	ssyncset.done $0x0  }
0x83: {  	s20 =	smul.u32 $0x500, s20;
	[sflag:s10] =	ssyncadd.s32 $0xFFFFD800  }
0x84: {  	[tilespmem:s30], [sflag:$0x2] =	stream.indirect.gather [hbm4b:s0+s26], $0x80, s11, s26, $0xb8;
	[tilespmem:$0x1E300] =	vst v63  }
0x85: {  	s20 =	sadd.s32 s1, s20  }
0x86: {  	[tilespmem:s12], [sflag:$0x2] =	stream.linear.gather [hbm4b:s20+s6], $0x2800, $0x38;
	[tilespmem:$0x1E300] =	vst v63  }
0x87: {  	_ =	swait.ge [sflag:s25], $0x2800  }
0x88: {  	[sflag:s25] =	ssyncset.done $0x0  }
0x89: {  	[sflag:s25] =	ssyncadd.s32 $0xFFFFD800  }
0x8a: {  	_ =	swait.ge [sflag:s25], $0x2800  }
0x8b: {  	[sflag:s25] =	ssyncset.done $0x0  }
0x8c: {  	[sflag:s25] =	ssyncadd.s32 $0xFFFFD800  }
0x8d: {  	v2 =	vld [tilespmem:$0x0]  }
0x8e: {  	v3 =	vld [tilespmem:$0x10]  }
0x8f: {  	v4 =	vld [tilespmem:$0x20]  }
0x90: {  	v5 =	vld [tilespmem:$0x30]  }
0x91: {  	v6 =	vld [tilespmem:$0x40]  }
0x92: {  	[tilespmem:$0x200] =	vst v2  }
0x93: {  	[tilespmem:$0x210] =	vst v3  }
0x94: {  	[tilespmem:$0x220] =	vst v4  }
0x95: {  	[tilespmem:$0x230] =	vst v5  }
0x96: {  	s20 =	simm.s32 $0xF0;
	[tilespmem:$0x240] =	vst v6  }
0x97: {  	v8 =	vld [tilespmem:s20+$0x5210]  }
0x98: {  	v9 =	vld [tilespmem:s20+$0x5220]  }
0x99: {  	v10 =	vld [tilespmem:s20+$0x5230]  }
0x9a: {  	v11 =	vld [tilespmem:s20+$0x5240]  }
0x9b: {  	v12 =	vld [tilespmem:s20+$0x5250]  }
0x9c: {  	v13 =	vld [tilespmem:s20+$0x5260]  }
0x9d: {  	v14 =	vld [tilespmem:s20+$0x5270]  }
0x9e: {  	v15 =	vld [tilespmem:s20+$0x5280]  }
0x9f: {  	v16 =	vld [tilespmem:s20+$0x5290]  }
0xa0: {  	v17 =	vld [tilespmem:s20+$0x52A0]  }
0xa1: {  	v7 =	vld [tilespmem:s20+$0x52B0]  }
0xa2: {  	v6 =	vld [tilespmem:s20+$0x52C0]  }
0xa3: {  	v5 =	vld [tilespmem:s20+$0x52D0]  }
0xa4: {  	v4 =	vld [tilespmem:s20+$0x52E0]  }
0xa5: {  	v3 =	vld [tilespmem:s20+$0x52F0]  }
0xa6: {  	v2 =	vld [tilespmem:s20+$0x5300]  }
0xa7: {  	v18 =	vld [tilespmem:s20+$0x210]  }
0xa8: {  	v19 =	vld [tilespmem:s20+$0x220]  }
0xa9: {  	v20 =	vld [tilespmem:s20+$0x230]  }
0xaa: {  	v21 =	vld [tilespmem:s20+$0x240]  }
0xab: {  	v22 =	vld [tilespmem:s20+$0x250]  }
0xac: {  	v60 =	vld [tilespmem:s20+$0x260];
	v8 =	vmul.f32 v8, v18  }
0xad: {  	v23 =	vld [tilespmem:s20+$0x270];
	v9 =	vmul.f32 v9, v19  }
0xae: {  	v61 =	vld [tilespmem:s20+$0x280];
	[tilespmem:s20+$0x210] =	vst v8;
	v8 =	vmul.f32 v10, v20  }
0xaf: {  	v62 =	vld [tilespmem:s20+$0x290];
	[tilespmem:s20+$0x220] =	vst v9;
	v9 =	vmul.f32 v11, v21  }
0xb0: {  	v63 =	vld [tilespmem:s20+$0x2A0];
	[tilespmem:s20+$0x230] =	vst v8;
	v8 =	vmul.f32 v12, v22  }
0xb1: {  	v10 =	vmul.f32 v13, v60;
	[tilespmem:s20+$0x240] =	vst v9;
	v9 =	vld [tilespmem:s20+$0x2B0]  }
0xb2: {  	v11 =	vmul.f32 v14, v23;
	[tilespmem:s20+$0x250] =	vst v8;
	v8 =	vld [tilespmem:s20+$0x2C0]  }
0xb3: {  	[tilespmem:s20+$0x260] =	vst v10;
	v10 =	vld [tilespmem:s20+$0x2D0];
	v12 =	vmul.f32 v15, v61  }
0xb4: {  	v14 =	vmul.f32 v16, v62;
	[tilespmem:s20+$0x270] =	vst v11;
	v11 =	vld [tilespmem:s20+$0x2E0]  }
0xb5: {  	s24 =	simm.s32 $0x7C0;
	v13 =	vmul.f32 v17, v63;
	[tilespmem:s20+$0x280] =	vst v12;
	v12 =	vld [tilespmem:s20+$0x2F0]  }
.LBB2_5:
0xb6: {  	s14 =	sshra.s32 s24, $0x2;
	p0 =	sne.s32 s24, $0x9FC0;
	[tilespmem:s20+$0x290] =	vst v14;
	v7 =	vmul.f32 v7, v9;
	v9 =	vld [tilespmem:s20+$0x300]  }
0xb7: {  	v14 =	vld [tilespmem:s14+$0x5210];
	[tilespmem:s20+$0x2A0] =	vst v13;
	v6 =	vmul.f32 v6, v8  }
0xb8: {  	v8 =	vld [tilespmem:s14+$0x5220];
	[tilespmem:s20+$0x2B0] =	vst v7;
	v5 =	vmul.f32 v5, v10  }
0xb9: {  	v10 =	vld [tilespmem:s14+$0x5230];
	[tilespmem:s20+$0x2C0] =	vst v6;
	v4 =	vmul.f32 v4, v11  }
0xba: {  	v11 =	vld [tilespmem:s14+$0x5240];
	[tilespmem:s20+$0x2D0] =	vst v5;
	v3 =	vmul.f32 v3, v12  }
0xbb: {  	v12 =	vld [tilespmem:s14+$0x5250];
	[tilespmem:s20+$0x2E0] =	vst v4;
	v2 =	vmul.f32 v2, v9  }
0xbc: {  	v9 =	vld [tilespmem:s14+$0x5260];
	[tilespmem:s20+$0x2F0] =	vst v3  }
0xbd: {  	v13 =	vld [tilespmem:s14+$0x5270];
	[tilespmem:s20+$0x300] =	vst v2;
	s20 =	smov.u32 s14  }
0xbe: {  	v15 =	vld [tilespmem:s20+$0x5280]  }
0xbf: {  	v16 =	vld [tilespmem:s20+$0x5290]  }
0xc0: {  	v17 =	vld [tilespmem:s20+$0x52A0]  }
0xc1: {  	v7 =	vld [tilespmem:s20+$0x52B0]  }
0xc2: {  	v6 =	vld [tilespmem:s20+$0x52C0]  }
0xc3: {  	v5 =	vld [tilespmem:s20+$0x52D0]  }
0xc4: {  	v4 =	vld [tilespmem:s20+$0x52E0]  }
0xc5: {  	v3 =	vld [tilespmem:s20+$0x52F0]  }
0xc6: {  	v2 =	vld [tilespmem:s20+$0x5300]  }
0xc7: {  	v18 =	vld [tilespmem:s20+$0x210]  }
0xc8: {  	v19 =	vld [tilespmem:s20+$0x220]  }
0xc9: {  	v20 =	vld [tilespmem:s20+$0x230]  }
0xca: {  	v21 =	vld [tilespmem:s20+$0x240]  }
0xcb: {  	v22 =	vld [tilespmem:s20+$0x250]  }
0xcc: {  	v14 =	vmul.f32 v14, v18;
	v18 =	vld [tilespmem:s20+$0x260]  }
0xcd: {  	v8 =	vmul.f32 v8, v19;
	v19 =	vld [tilespmem:s20+$0x270]  }
0xce: {  	[tilespmem:s20+$0x210] =	vst v14;
	v10 =	vmul.f32 v10, v20;
	v14 =	vld [tilespmem:s20+$0x280]  }
0xcf: {  	[tilespmem:s20+$0x220] =	vst v8;
	v8 =	vmul.f32 v11, v21;
	v11 =	vld [tilespmem:s20+$0x290]  }
0xd0: {  	[tilespmem:s20+$0x230] =	vst v10;
	v10 =	vmul.f32 v12, v22;
	v12 =	vld [tilespmem:s20+$0x2A0]  }
.Ltmp1:
0xd1: {  	[tilespmem:s20+$0x240] =	vst v8;
	v18 =	vmul.f32 v9, v18;
	v9 =	vld [tilespmem:s20+$0x2B0];
	(pc) =	sbr.rel @p0 .LBB2_5-.Ltmp1, $4  }
0xd2: {  	[tilespmem:s20+$0x250] =	vst v10;
	v13 =	vmul.f32 v13, v19;
	v8 =	vld [tilespmem:s20+$0x2C0]  }
0xd3: {  	[tilespmem:s20+$0x260] =	vst v18;
	v15 =	vmul.f32 v15, v14;
	v10 =	vld [tilespmem:s20+$0x2D0]  }
0xd4: {  	[tilespmem:s20+$0x270] =	vst v13;
	v14 =	vmul.f32 v16, v11;
	v11 =	vld [tilespmem:s20+$0x2E0]  }
0xd5: {  	s24 =	sadd.s32 $0x400, s24;
	[tilespmem:s20+$0x280] =	vst v15;
	v13 =	vmul.f32 v17, v12;
	v12 =	vld [tilespmem:s20+$0x2F0]  }
0xd6: {  	[tilespmem:s20+$0x290] =	vst v14;
	v7 =	vmul.f32 v7, v9;
	v9 =	vld [tilespmem:s20+$0x300]  }
0xd7: {  	[tilespmem:s20+$0x2A0] =	vst v13;
	v6 =	vmul.f32 v6, v8  }
0xd8: {  	[tilespmem:s20+$0x2B0] =	vst v7;
	v5 =	vmul.f32 v5, v10  }
0xd9: {  	[tilespmem:s20+$0x2C0] =	vst v6;
	v4 =	vmul.f32 v4, v11  }
0xda: {  	[tilespmem:s20+$0x2D0] =	vst v5;
	v3 =	vmul.f32 v3, v12  }
0xdb: {  	s14 =	sadd.s32 s21, s17;
	[tilespmem:s20+$0x2E0] =	vst v4;
	v2 =	vmul.f32 v2, v9  }
0xdc: {  	s24 =	sshll.u32 s14, $0x5;
	[tilespmem:s20+$0x2F0] =	vst v3  }
0xdd: {  	[tilespmem:s20+$0x300] =	vst v2;
	s20 =	sand.u32 $0x1FFFFFE0, s24  }
0xde: {  	[spmem:s5] =	stream.indirect.scatter.add.f32 [tilespmem:s23], [sflag:$0x5], $0x80, s28, s26, $0xb8;
	[tilespmem:$0x1E300] =	vst v63  }
0xdf: {  	s20 =	sadd.s32 s2, s20  }
0xe0: {  	[tilespmem:s6], [sflag:$0x3] =	stream.linear.gather [hbm4b:s20+s6], $0x100, $0x38;
	[tilespmem:$0x1E300] =	vst v63  }
0xe1: {  	_ =	swait.ge [sflag:s31], $0x100  }
0xe2: {  	[sflag:s31] =	ssyncset.done $0x0  }
0xe3: {  	[sflag:s31] =	ssyncadd.s32 $0xFFFFFF00  }
0xe4: {  	_ =	swait.ge [sflag:s3], $0x2800  }
0xe5: {  	[sflag:s3] =	ssyncset.done $0x0  }
0xe6: {  	s14 =	smul.u32 $0x500, s14;
	[sflag:s3] =	ssyncadd.s32 $0xFFFFD800  }
0xe7: {  	[tilespmem:s23], [sflag:$0x1] =	stream.indirect.gather [hbm4b:s0+s26], $0x80, s4, s26, $0xb8;
	[tilespmem:$0x1E300] =	vst v63  }
0xe8: {  	s14 =	sadd.s32 s1, s14  }
0xe9: {  	[tilespmem:s8], [sflag:$0x1] =	stream.linear.gather [hbm4b:s14+s6], $0x2800, $0x38;
	[tilespmem:$0x1E300] =	vst v63  }
0xea: {  	_ =	swait.ge [sflag:s13], $0x2800  }
0xeb: {  	[sflag:s13] =	ssyncset.done $0x0  }
0xec: {  	[sflag:s13] =	ssyncadd.s32 $0xFFFFD800  }
0xed: {  	_ =	swait.ge [sflag:s13], $0x2800  }
0xee: {  	[sflag:s13] =	ssyncset.done $0x0  }
0xef: {  	[sflag:s13] =	ssyncadd.s32 $0xFFFFD800  }
0xf0: {  	v2 =	vld [tilespmem:$0x100]  }
0xf1: {  	v3 =	vld [tilespmem:$0x110]  }
0xf2: {  	v4 =	vld [tilespmem:$0x120]  }
0xf3: {  	v5 =	vld [tilespmem:$0x130]  }
0xf4: {  	v6 =	vld [tilespmem:$0x140]  }
0xf5: {  	[tilespmem:$0x280] =	vst v2  }
0xf6: {  	[tilespmem:$0x290] =	vst v3  }
0xf7: {  	[tilespmem:$0x2A0] =	vst v4  }
0xf8: {  	[tilespmem:$0x2B0] =	vst v5  }
0xf9: {  	s20 =	simm.s32 $0xF0;
	[tilespmem:$0x2C0] =	vst v6  }
0xfa: {  	v8 =	vld [tilespmem:s20+$0x7A10]  }
0xfb: {  	v9 =	vld [tilespmem:s20+$0x7A20]  }
0xfc: {  	v10 =	vld [tilespmem:s20+$0x7A30]  }
0xfd: {  	v11 =	vld [tilespmem:s20+$0x7A40]  }
0xfe: {  	v12 =	vld [tilespmem:s20+$0x7A50]  }
0xff: {  	v13 =	vld [tilespmem:s20+$0x7A60]  }
0x100: {  	v14 =	vld [tilespmem:s20+$0x7A70]  }
0x101: {  	v15 =	vld [tilespmem:s20+$0x7A80]  }
0x102: {  	v16 =	vld [tilespmem:s20+$0x7A90]  }
0x103: {  	v17 =	vld [tilespmem:s20+$0x7AA0]  }
0x104: {  	v7 =	vld [tilespmem:s20+$0x7AB0]  }
0x105: {  	v6 =	vld [tilespmem:s20+$0x7AC0]  }
0x106: {  	v5 =	vld [tilespmem:s20+$0x7AD0]  }
0x107: {  	v4 =	vld [tilespmem:s20+$0x7AE0]  }
0x108: {  	v3 =	vld [tilespmem:s20+$0x7AF0]  }
0x109: {  	v2 =	vld [tilespmem:s20+$0x7B00]  }
0x10a: {  	v18 =	vld [tilespmem:s20+$0x2A10]  }
0x10b: {  	v19 =	vld [tilespmem:s20+$0x2A20]  }
0x10c: {  	v20 =	vld [tilespmem:s20+$0x2A30]  }
0x10d: {  	v21 =	vld [tilespmem:s20+$0x2A40]  }
0x10e: {  	v22 =	vld [tilespmem:s20+$0x2A50]  }
0x10f: {  	v60 =	vld [tilespmem:s20+$0x2A60];
	v8 =	vmul.f32 v8, v18  }
0x110: {  	v23 =	vld [tilespmem:s20+$0x2A70];
	v9 =	vmul.f32 v9, v19  }
0x111: {  	v61 =	vld [tilespmem:s20+$0x2A80];
	[tilespmem:s20+$0x2A10] =	vst v8;
	v8 =	vmul.f32 v10, v20  }
0x112: {  	v62 =	vld [tilespmem:s20+$0x2A90];
	[tilespmem:s20+$0x2A20] =	vst v9;
	v9 =	vmul.f32 v11, v21  }
0x113: {  	v63 =	vld [tilespmem:s20+$0x2AA0];
	[tilespmem:s20+$0x2A30] =	vst v8;
	v8 =	vmul.f32 v12, v22  }
0x114: {  	v10 =	vmul.f32 v13, v60;
	[tilespmem:s20+$0x2A40] =	vst v9;
	v9 =	vld [tilespmem:s20+$0x2AB0]  }
0x115: {  	v11 =	vmul.f32 v14, v23;
	[tilespmem:s20+$0x2A50] =	vst v8;
	v8 =	vld [tilespmem:s20+$0x2AC0]  }
0x116: {  	[tilespmem:s20+$0x2A60] =	vst v10;
	v10 =	vld [tilespmem:s20+$0x2AD0];
	v12 =	vmul.f32 v15, v61  }
0x117: {  	v14 =	vmul.f32 v16, v62;
	[tilespmem:s20+$0x2A70] =	vst v11;
	v11 =	vld [tilespmem:s20+$0x2AE0]  }
0x118: {  	s24 =	simm.s32 $0x7C0;
	v13 =	vmul.f32 v17, v63;
	[tilespmem:s20+$0x2A80] =	vst v12;
	v12 =	vld [tilespmem:s20+$0x2AF0]  }
.LBB2_7:
0x119: {  	s14 =	sshra.s32 s24, $0x2;
	p0 =	sne.s32 s24, $0x9FC0;
	[tilespmem:s20+$0x2A90] =	vst v14;
	v7 =	vmul.f32 v7, v9;
	v9 =	vld [tilespmem:s20+$0x2B00]  }
0x11a: {  	v14 =	vld [tilespmem:s14+$0x7A10];
	[tilespmem:s20+$0x2AA0] =	vst v13;
	v6 =	vmul.f32 v6, v8  }
0x11b: {  	v8 =	vld [tilespmem:s14+$0x7A20];
	[tilespmem:s20+$0x2AB0] =	vst v7;
	v5 =	vmul.f32 v5, v10  }
0x11c: {  	v10 =	vld [tilespmem:s14+$0x7A30];
	[tilespmem:s20+$0x2AC0] =	vst v6;
	v4 =	vmul.f32 v4, v11  }
0x11d: {  	v11 =	vld [tilespmem:s14+$0x7A40];
	[tilespmem:s20+$0x2AD0] =	vst v5;
	v3 =	vmul.f32 v3, v12  }
0x11e: {  	v12 =	vld [tilespmem:s14+$0x7A50];
	[tilespmem:s20+$0x2AE0] =	vst v4;
	v2 =	vmul.f32 v2, v9  }
0x11f: {  	v9 =	vld [tilespmem:s14+$0x7A60];
	[tilespmem:s20+$0x2AF0] =	vst v3  }
0x120: {  	v13 =	vld [tilespmem:s14+$0x7A70];
	[tilespmem:s20+$0x2B00] =	vst v2;
	s20 =	smov.u32 s14  }
0x121: {  	v15 =	vld [tilespmem:s20+$0x7A80]  }
0x122: {  	v16 =	vld [tilespmem:s20+$0x7A90]  }
0x123: {  	v17 =	vld [tilespmem:s20+$0x7AA0]  }
0x124: {  	v7 =	vld [tilespmem:s20+$0x7AB0]  }
0x125: {  	v6 =	vld [tilespmem:s20+$0x7AC0]  }
0x126: {  	v5 =	vld [tilespmem:s20+$0x7AD0]  }
0x127: {  	v4 =	vld [tilespmem:s20+$0x7AE0]  }
0x128: {  	v3 =	vld [tilespmem:s20+$0x7AF0]  }
0x129: {  	v2 =	vld [tilespmem:s20+$0x7B00]  }
0x12a: {  	v18 =	vld [tilespmem:s20+$0x2A10]  }
0x12b: {  	v19 =	vld [tilespmem:s20+$0x2A20]  }
0x12c: {  	v20 =	vld [tilespmem:s20+$0x2A30]  }
0x12d: {  	v21 =	vld [tilespmem:s20+$0x2A40]  }
0x12e: {  	v22 =	vld [tilespmem:s20+$0x2A50]  }
0x12f: {  	v14 =	vmul.f32 v14, v18;
	v18 =	vld [tilespmem:s20+$0x2A60]  }
0x130: {  	v8 =	vmul.f32 v8, v19;
	v19 =	vld [tilespmem:s20+$0x2A70]  }
0x131: {  	[tilespmem:s20+$0x2A10] =	vst v14;
	v10 =	vmul.f32 v10, v20;
	v14 =	vld [tilespmem:s20+$0x2A80]  }
0x132: {  	[tilespmem:s20+$0x2A20] =	vst v8;
	v8 =	vmul.f32 v11, v21;
	v11 =	vld [tilespmem:s20+$0x2A90]  }
0x133: {  	[tilespmem:s20+$0x2A30] =	vst v10;
	v10 =	vmul.f32 v12, v22;
	v12 =	vld [tilespmem:s20+$0x2AA0]  }
.Ltmp2:
0x134: {  	[tilespmem:s20+$0x2A40] =	vst v8;
	v18 =	vmul.f32 v9, v18;
	v9 =	vld [tilespmem:s20+$0x2AB0];
	(pc) =	sbr.rel @p0 .LBB2_7-.Ltmp2, $4  }
0x135: {  	[tilespmem:s20+$0x2A50] =	vst v10;
	v13 =	vmul.f32 v13, v19;
	v8 =	vld [tilespmem:s20+$0x2AC0]  }
0x136: {  	[tilespmem:s20+$0x2A60] =	vst v18;
	v15 =	vmul.f32 v15, v14;
	v10 =	vld [tilespmem:s20+$0x2AD0]  }
0x137: {  	[tilespmem:s20+$0x2A70] =	vst v13;
	v14 =	vmul.f32 v16, v11;
	v11 =	vld [tilespmem:s20+$0x2AE0]  }
0x138: {  	s24 =	sadd.s32 $0x400, s24;
	[tilespmem:s20+$0x2A80] =	vst v15;
	v13 =	vmul.f32 v17, v12;
	v12 =	vld [tilespmem:s20+$0x2AF0]  }
0x139: {  	[tilespmem:s20+$0x2A90] =	vst v14;
	v7 =	vmul.f32 v7, v9;
	v63 =	vld [tilespmem:s20+$0x2B00]  }
0x13a: {  	[tilespmem:s20+$0x2AA0] =	vst v13;
	v6 =	vmul.f32 v6, v8  }
0x13b: {  	[tilespmem:s20+$0x2AB0] =	vst v7;
	v5 =	vmul.f32 v5, v10  }
0x13c: {  	[tilespmem:s20+$0x2AC0] =	vst v6;
	v4 =	vmul.f32 v4, v11  }
0x13d: {  	s16 =	sadd.s32 $0x1, s16;
	[tilespmem:s20+$0x2AD0] =	vst v5;
	v3 =	vmul.f32 v3, v12  }
0x13e: {  	s14 =	smin.u32 s17, $0x79;
	p0 =	sne.s32 s16, $0x3E;
	[tilespmem:s20+$0x2AE0] =	vst v4;
	v2 =	vmul.f32 v2, v63  }
.Ltmp3:
0x13f: {  	s14 =	sadd.s32 s14, s19;
	[tilespmem:s20+$0x2AF0] =	vst v3;
	(pc) =	sbr.rel @p0 .LBB2_4-.Ltmp3, $4  }
0x140: {  	s14 =	sshll.u32 s14, $0x5;
	[tilespmem:s20+$0x2B00] =	vst v2  }
0x141: {  	[spmem:s5] =	stream.indirect.scatter.add.f32 [tilespmem:s30], [sflag:$0x6], $0x80, s29, s26, $0xb8;
	[tilespmem:$0x1E300] =	vst v63  }
0x142: {  	s14 =	sadd.s32 s2, s14  }
0x143: {  	[tilespmem:s22], [sflag:$0x4] =	stream.linear.gather [hbm4b:s14+s6], $0x100, $0x38;
	[tilespmem:$0x1E300] =	vst v63  }
0x144: {  	_ =	swait.ge [sflag:s9], $0x100  }
0x145: {  	[sflag:s9] =	ssyncset.done $0x0  }
0x146: {  	[sflag:s9] =	ssyncadd.s32 $0xFFFFFF00  }
0x147: {  	_ =	swait.ge [sflag:s10], $0x2800  }
0x148: {  	[sflag:s10] =	ssyncset.done $0x0  }
0x149: {  	[sflag:s10] =	ssyncadd.s32 $0xFFFFD800  }
0x14a: {  	_ =	swait.ge [sflag:s25], $0x2800  }
0x14b: {  	[sflag:s25] =	ssyncset.done $0x0  }
0x14c: {  	[sflag:s25] =	ssyncadd.s32 $0xFFFFD800  }
0x14d: {  	_ =	swait.ge [sflag:s25], $0x2800  }
0x14e: {  	[sflag:s25] =	ssyncset.done $0x0  }
0x14f: {  	[sflag:s25] =	ssyncadd.s32 $0xFFFFD800  }
0x150: {  	v2 =	vld [tilespmem:$0x0]  }
0x151: {  	v3 =	vld [tilespmem:$0x10]  }
0x152: {  	v4 =	vld [tilespmem:$0x20]  }
0x153: {  	v5 =	vld [tilespmem:$0x30]  }
0x154: {  	v6 =	vld [tilespmem:$0x40]  }
0x155: {  	[tilespmem:$0x200] =	vst v2  }
0x156: {  	[tilespmem:$0x210] =	vst v3  }
0x157: {  	[tilespmem:$0x220] =	vst v4  }
0x158: {  	[tilespmem:$0x230] =	vst v5  }
0x159: {  	s16 =	simm.s32 $0xF0;
	[tilespmem:$0x240] =	vst v6  }
0x15a: {  	v8 =	vld [tilespmem:s16+$0x5210]  }
0x15b: {  	v9 =	vld [tilespmem:s16+$0x5220]  }
0x15c: {  	v10 =	vld [tilespmem:s16+$0x5230]  }
0x15d: {  	v11 =	vld [tilespmem:s16+$0x5240]  }
0x15e: {  	v12 =	vld [tilespmem:s16+$0x5250]  }
0x15f: {  	v13 =	vld [tilespmem:s16+$0x5260]  }
0x160: {  	v14 =	vld [tilespmem:s16+$0x5270]  }
0x161: {  	v15 =	vld [tilespmem:s16+$0x5280]  }
0x162: {  	v16 =	vld [tilespmem:s16+$0x5290]  }
0x163: {  	v17 =	vld [tilespmem:s16+$0x52A0]  }
0x164: {  	v7 =	vld [tilespmem:s16+$0x52B0]  }
0x165: {  	v6 =	vld [tilespmem:s16+$0x52C0]  }
0x166: {  	v5 =	vld [tilespmem:s16+$0x52D0]  }
0x167: {  	v4 =	vld [tilespmem:s16+$0x52E0]  }
0x168: {  	v3 =	vld [tilespmem:s16+$0x52F0]  }
0x169: {  	v2 =	vld [tilespmem:s16+$0x5300]  }
0x16a: {  	v18 =	vld [tilespmem:s16+$0x210]  }
0x16b: {  	v19 =	vld [tilespmem:s16+$0x220]  }
0x16c: {  	v20 =	vld [tilespmem:s16+$0x230]  }
0x16d: {  	v21 =	vld [tilespmem:s16+$0x240]  }
0x16e: {  	v22 =	vld [tilespmem:s16+$0x250]  }
0x16f: {  	v60 =	vld [tilespmem:s16+$0x260];
	v8 =	vmul.f32 v8, v18  }
0x170: {  	v23 =	vld [tilespmem:s16+$0x270];
	v9 =	vmul.f32 v9, v19  }
0x171: {  	v61 =	vld [tilespmem:s16+$0x280];
	[tilespmem:s16+$0x210] =	vst v8;
	v8 =	vmul.f32 v10, v20  }
0x172: {  	v62 =	vld [tilespmem:s16+$0x290];
	[tilespmem:s16+$0x220] =	vst v9;
	v9 =	vmul.f32 v11, v21  }
0x173: {  	v63 =	vld [tilespmem:s16+$0x2A0];
	[tilespmem:s16+$0x230] =	vst v8;
	v8 =	vmul.f32 v12, v22  }
0x174: {  	v10 =	vmul.f32 v13, v60;
	[tilespmem:s16+$0x240] =	vst v9;
	v9 =	vld [tilespmem:s16+$0x2B0]  }
0x175: {  	v11 =	vmul.f32 v14, v23;
	[tilespmem:s16+$0x250] =	vst v8;
	v8 =	vld [tilespmem:s16+$0x2C0]  }
0x176: {  	[tilespmem:s16+$0x260] =	vst v10;
	v10 =	vld [tilespmem:s16+$0x2D0];
	v12 =	vmul.f32 v15, v61  }
0x177: {  	v14 =	vmul.f32 v16, v62;
	[tilespmem:s16+$0x270] =	vst v11;
	v11 =	vld [tilespmem:s16+$0x2E0]  }
0x178: {  	s17 =	simm.s32 $0x7C0;
	v13 =	vmul.f32 v17, v63;
	[tilespmem:s16+$0x280] =	vst v12;
	v12 =	vld [tilespmem:s16+$0x2F0]  }
.LBB2_10:
0x179: {  	s14 =	sshra.s32 s17, $0x2;
	p0 =	sne.s32 s17, $0x9FC0;
	[tilespmem:s16+$0x290] =	vst v14;
	v7 =	vmul.f32 v7, v9;
	v9 =	vld [tilespmem:s16+$0x300]  }
0x17a: {  	v14 =	vld [tilespmem:s14+$0x5210];
	[tilespmem:s16+$0x2A0] =	vst v13;
	v6 =	vmul.f32 v6, v8  }
0x17b: {  	v8 =	vld [tilespmem:s14+$0x5220];
	[tilespmem:s16+$0x2B0] =	vst v7;
	v5 =	vmul.f32 v5, v10  }
0x17c: {  	v10 =	vld [tilespmem:s14+$0x5230];
	[tilespmem:s16+$0x2C0] =	vst v6;
	v4 =	vmul.f32 v4, v11  }
0x17d: {  	v11 =	vld [tilespmem:s14+$0x5240];
	[tilespmem:s16+$0x2D0] =	vst v5;
	v3 =	vmul.f32 v3, v12  }
0x17e: {  	v12 =	vld [tilespmem:s14+$0x5250];
	[tilespmem:s16+$0x2E0] =	vst v4;
	v2 =	vmul.f32 v2, v9  }
0x17f: {  	v9 =	vld [tilespmem:s14+$0x5260];
	[tilespmem:s16+$0x2F0] =	vst v3  }
0x180: {  	v13 =	vld [tilespmem:s14+$0x5270];
	[tilespmem:s16+$0x300] =	vst v2;
	s16 =	smov.u32 s14  }
0x181: {  	v15 =	vld [tilespmem:s16+$0x5280]  }
0x182: {  	v16 =	vld [tilespmem:s16+$0x5290]  }
0x183: {  	v17 =	vld [tilespmem:s16+$0x52A0]  }
0x184: {  	v7 =	vld [tilespmem:s16+$0x52B0]  }
0x185: {  	v6 =	vld [tilespmem:s16+$0x52C0]  }
0x186: {  	v5 =	vld [tilespmem:s16+$0x52D0]  }
0x187: {  	v4 =	vld [tilespmem:s16+$0x52E0]  }
0x188: {  	v3 =	vld [tilespmem:s16+$0x52F0]  }
0x189: {  	v2 =	vld [tilespmem:s16+$0x5300]  }
0x18a: {  	v18 =	vld [tilespmem:s16+$0x210]  }
0x18b: {  	v19 =	vld [tilespmem:s16+$0x220]  }
0x18c: {  	v20 =	vld [tilespmem:s16+$0x230]  }
0x18d: {  	v21 =	vld [tilespmem:s16+$0x240]  }
0x18e: {  	v22 =	vld [tilespmem:s16+$0x250]  }
0x18f: {  	v14 =	vmul.f32 v14, v18;
	v18 =	vld [tilespmem:s16+$0x260]  }
0x190: {  	v8 =	vmul.f32 v8, v19;
	v19 =	vld [tilespmem:s16+$0x270]  }
0x191: {  	[tilespmem:s16+$0x210] =	vst v14;
	v10 =	vmul.f32 v10, v20;
	v14 =	vld [tilespmem:s16+$0x280]  }
0x192: {  	[tilespmem:s16+$0x220] =	vst v8;
	v8 =	vmul.f32 v11, v21;
	v11 =	vld [tilespmem:s16+$0x290]  }
0x193: {  	[tilespmem:s16+$0x230] =	vst v10;
	v10 =	vmul.f32 v12, v22;
	v12 =	vld [tilespmem:s16+$0x2A0]  }
.Ltmp4:
0x194: {  	[tilespmem:s16+$0x240] =	vst v8;
	v18 =	vmul.f32 v9, v18;
	v9 =	vld [tilespmem:s16+$0x2B0];
	(pc) =	sbr.rel @p0 .LBB2_10-.Ltmp4, $4  }
0x195: {  	[tilespmem:s16+$0x250] =	vst v10;
	v13 =	vmul.f32 v13, v19;
	v8 =	vld [tilespmem:s16+$0x2C0]  }
0x196: {  	[tilespmem:s16+$0x260] =	vst v18;
	v15 =	vmul.f32 v15, v14;
	v10 =	vld [tilespmem:s16+$0x2D0]  }
0x197: {  	[tilespmem:s16+$0x270] =	vst v13;
	v14 =	vmul.f32 v16, v11;
	v11 =	vld [tilespmem:s16+$0x2E0]  }
0x198: {  	s17 =	sadd.s32 $0x400, s17;
	[tilespmem:s16+$0x280] =	vst v15;
	v13 =	vmul.f32 v17, v12;
	v12 =	vld [tilespmem:s16+$0x2F0]  }
0x199: {  	[tilespmem:s16+$0x290] =	vst v14;
	v7 =	vmul.f32 v7, v9;
	v63 =	vld [tilespmem:s16+$0x300]  }
0x19a: {  	[tilespmem:s16+$0x2A0] =	vst v13;
	v6 =	vmul.f32 v6, v8  }
0x19b: {  	[tilespmem:s16+$0x2B0] =	vst v7;
	v5 =	vmul.f32 v5, v10  }
0x19c: {  	[tilespmem:s16+$0x2C0] =	vst v6;
	v4 =	vmul.f32 v4, v11  }
0x19d: {  	[tilespmem:s16+$0x2D0] =	vst v5;
	v3 =	vmul.f32 v3, v12  }
0x19e: {  	[tilespmem:s16+$0x2E0] =	vst v4;
	v2 =	vmul.f32 v2, v63  }
0x19f: {  	[tilespmem:s16+$0x2F0] =	vst v3  }
0x1a0: {  	[tilespmem:s16+$0x300] =	vst v2  }
0x1a1: {  	[spmem:s5] =	stream.indirect.scatter.add.f32 [tilespmem:s23], [sflag:$0x5], $0x80, s28, s26, $0xb8;
	[tilespmem:$0x1E300] =	vst v63  }
0x1a2: {  	_ =	swait.ge [sflag:s3], $0x2800  }
0x1a3: {  	[sflag:s3] =	ssyncset.done $0x0  }
0x1a4: {  	s14 =	stileid.u32;
	[sflag:s3] =	ssyncadd.s32 $0xFFFFD800  }
0x1a5: {  	s24 =	sshrl.u32 s7, $0x3;
	s14 =	sshll.u32 s14, $0x6;
	[bflag:$0x0] =	sbarrier.arrive $0xFFFF  }
0x1a6: {  	s20 =	simm.s32 $0x7;
	s14 =	sor.u32 $0x1C07, s14;
	s17 =	rddreg [dreg:$0x11]  }
0x1a7: {  	[hbm:s17], [sflag:s14] =	dma.local [spmem:s24], $0x2800  }
0x1a8: {  	_ =	swait.ge [sflag:s20], $0x2800  }
0x1a9: {  	s15 =	sadd.s32 $0x1, s15;
	s24 =	rddreg [dreg:$0x10]  }
0x1aa: {  	p0 =	sne.s32 s15, s24  }
.Ltmp5:
0x1ab: {  	_ = 	snop;
	(pc) =	sbr.rel @p0 .LBB2_1-.Ltmp5, $3  }
0x1ac: {  	_ =	sdelay $0x1  }
0x1ad: {  	[sflag:s20] =	ssyncset.done $0x0  }
0x1ae: {  	[sflag:s20] =	ssyncadd.s32 $0xFFFFD800  }
0x1af: {  	_ =	sfence.sel $0x180000  }
0x1b0: {  	[bflag:$0x0] =	sbarrier.arrive $0xFFFF  }
0x1b1: {  	_ =	strace $0x90000047  }
0x1b2: {  	s0 =	stileid.u32;
	[bflag:$0x2] =	sbarrier.arrive $0xFFFF  }
0x1b3: {  	p0 =	sne.s32 s0, $0x0;
	s0 =	rddreg [dreg:$0x5]  }
0x1b4: {  	s0 =	sadd.s32 @!p0 $0x100000, s0  }
0x1b5: {  	[sflag:s0] =	ssyncadd.tile.s32 @!p0 $0x1;
	_ =	shalt  }
.Lfunc_end2:
_tile_overlayer_lowered:
.L_overlay_start_2:
0x1b6: {  	(tag) =	ssettag $0x2  }
0x1b7: {  	s0 =	rddreg [dreg:$0x0];
	s2 =	stileid.u32  }
0x1b8: {  	s1 =	rddreg [dreg:$0x1];
	p0 =	sne.s32 s2, $0x0  }
0x1b9: {  	s3 =	rddreg [dreg:$0x2];
	[bflag:$0x3] =	sbarrier.arrive $0xFFFF;
	s2 =	simm.s32 @!p0 $0x1C07  }
0x1ba: {  	[timem:s3], [sflag:s2] =	dma.local @!p0 [hbm:s0], s1  }
0x1bb: {  	s0 =	simm.s32 @!p0 $0x7  }
0x1bc: {  	_ =	swait.ge @!p0 [sflag:s0], s1  }
0x1bd: {  	s1 =	ssub.s32 @!p0 $0x0, s1;
	[sflag:s0] =	ssyncset.done @!p0 $0x0  }
0x1be: {  	[sflag:s0] =	ssyncadd.s32 @!p0 s1  }
0x1bf: {  	[bflag:$0x3] =	sbarrier.arrive $0xFFFF  }
0x1c0: {  	_ =	shalt  }

</sc_bundles>
